<compile_context>
chip_gen: v7x
topology: tpu7x:2x2x1
jax: 0.10.2.dev20260603
libtpu: 0.0.44.dev20260713+nightly
codegen_flags: <defaults>
</compile_context>

<pallas_src>
import functools
import math

import jax
import jax.numpy as jnp
from jax import lax
from jax.experimental import pallas as pl
from jax.experimental.pallas import tpu as pltpu
from jax.experimental.pallas import tpu_sc as plsc

D_EMBED = 64
SCALE = math.sqrt(D_EMBED)
NUM_CORES = 2
NUM_SUBCORES = 16
NUM_WORKERS = NUM_CORES * NUM_SUBCORES
LANES = 16
NBUF = 4
LOOKAHEAD = 2
PREP_W = 1024
HALF = PREP_W // 2


def _prep_block(tab_t_ref, out_ref):
    block = tab_t_ref[...]
    lo = block[:, :HALF].T * SCALE
    hi = block[:, HALF:].T * SCALE
    out_ref[...] = jnp.concatenate([lo, hi], axis=1)


def _prep_table(tab_t):
    v = tab_t.shape[1]
    n_blocks = (v + PREP_W - 1) // PREP_W
    return pl.pallas_call(
        _prep_block,
        grid=(n_blocks,),
        in_specs=[pl.BlockSpec((D_EMBED, PREP_W), lambda i: (0, i))],
        out_specs=pl.BlockSpec((HALF, 2 * D_EMBED), lambda i: (i, 0)),
        out_shape=jax.ShapeDtypeStruct((n_blocks * HALF, 2 * D_EMBED), jnp.float32),
    )(tab_t)


def _build_sc_gather(xb: int, xt: int, v_pad: int):
    assert xb % (NUM_WORKERS * NBUF) == 0
    rows_per_worker = xb // NUM_WORKERS

    mesh = plsc.VectorSubcoreMesh(core_axis_name="c", subcore_axis_name="s")

    @functools.partial(
        pl.kernel,
        out_type=jax.ShapeDtypeStruct((xb, xt, D_EMBED), jnp.float32),
        mesh=mesh,
        scratch_types=[
            pltpu.VMEM((rows_per_worker, xt), jnp.int32),
            pltpu.VMEM((rows_per_worker, xt), jnp.int32),
            pltpu.VMEM((NBUF, xt, D_EMBED), jnp.float32),
            pltpu.SemaphoreType.DMA((NBUF,)),
            pltpu.SemaphoreType.DMA((NBUF,)),
        ],
        compiler_params=pltpu.CompilerParams(use_tc_tiling_on_sc=False),
    )
    def sc_gather(x_hbm, tab_hbm, out_hbm, idx_v, idxq_v, rows_v, gsem, ssem):
        wid = lax.axis_index("s") * NUM_CORES + lax.axis_index("c")
        base = wid * rows_per_worker
        pltpu.sync_copy(x_hbm.at[pl.ds(base, rows_per_worker)], idx_v)

        col_starts = [c * LANES for c in range(xt // LANES)]
        if xt % LANES:
            col_starts.append(xt - LANES)

        @pl.loop(0, rows_per_worker)
        def _remap(r):
            for c0 in col_starts:
                sl = pl.ds(c0, LANES)
                i = idx_v[r, sl]
                q = (i & ~(PREP_W - 1)) + ((i & (HALF - 1)) << 1) + (
                    (i >> 9) & 1
                )
                idxq_v[r, sl] = q

        def gather(r, b):
            return pltpu.make_async_copy(
                tab_hbm.at[idxq_v.at[r]],
                rows_v.at[b],
                gsem.at[b],
            )

        def store(r, b):
            return pltpu.make_async_copy(
                rows_v.at[b],
                out_hbm.at[base + r],
                ssem.at[b],
            )

        for r in range(LOOKAHEAD):
            gather(r, r).start()

        @pl.loop(0, rows_per_worker // NBUF)
        def _group(g):
            r0 = g * NBUF
            for b in range(NBUF):
                r = r0 + b
                b2 = (b + LOOKAHEAD) % NBUF

                gather(r, b).wait()

                @pl.when(r + LOOKAHEAD < rows_per_worker)
                def _start_next():
                    @pl.when(r + LOOKAHEAD >= NBUF)
                    def _drain_b2():
                        store(0, b2).wait()

                    gather(r + LOOKAHEAD, b2).start()

                store(r, b).start()

        for b in range(NBUF):
            store(0, b).wait()

    return sc_gather


def kernel(x, table):
    b, t = x.shape
    scaled2 = _prep_table(table.T)
    v_pad = scaled2.shape[0] * 2
    scaled = scaled2.reshape(v_pad, D_EMBED)
    return _build_sc_gather(b, t, v_pad)(x.astype(jnp.int32), scaled)

# --- scband reference (transcript-rebuilt; emitter-appended) ---
"""Pipeline reference for scband-token-embedding-85899346352 (READ-ONLY COPY).

The authoritative reference and input builder live on the scoring server;
editing this copy changes nothing except your own understanding.
"""

import jax, jax.numpy as jnp
import numpy as np
import math

D_EMBED = 64
VOCAB_SIZE = 1000000

def setup_inputs(seed: int = 0) -> dict:
    key = jax.random.key(seed)
    k_idx, k_tab = jax.random.split(key)
    x = jax.random.randint(k_idx, (4096, 200), 0, VOCAB_SIZE, dtype=jnp.int64 if jax.config.jax_enable_x64 else jnp.int32)
    table = jax.random.normal(k_tab, (VOCAB_SIZE, D_EMBED), dtype=jnp.float32)
    return {"x": x, "table": table}

def reference(x, table):
    out = jnp.take(table, x, axis=0) * math.sqrt(D_EMBED)
    return out

if __name__ == "__main__":
    import jax
    _d = setup_inputs()
    print(jax.jit(kernel)(*tuple(_d.values())))

</pallas_src>

<mosaic_0001>
#map = affine_map<(d0, d1) -> (0, 0)>
#map1 = affine_map<(d0, d1) -> (0, 0, 0)>
module attributes {stable_mosaic.version = 14 : i64} {
  func.func @sc_gather(%arg0: i32, %arg1: i32, %arg2: memref<4096x200xi32, #tpu.memory_space<hbm>>, %arg3: memref<1000448x64xf32, #tpu.memory_space<hbm>>, %arg4: memref<4096x200x64xf32, #tpu.memory_space<hbm>>, %arg5: memref<128x200xi32, #tpu.memory_space<vmem>>, %arg6: memref<128x200xi32, #tpu.memory_space<vmem>>, %arg7: memref<4x200x64xf32, #tpu.memory_space<vmem>>, %arg8: memref<4x!tpu.dma_semaphore, #tpu.memory_space<semaphore_mem>>, %arg9: memref<4x!tpu.dma_semaphore, #tpu.memory_space<semaphore_mem>>) attributes {dimension_semantics = [#tpu.dimension_semantics<core_parallel>, #tpu.dimension_semantics<subcore_parallel>], iteration_bounds = array<i64: 2, 16>, scalar_prefetch = 0 : i64, scratch_operands = 5 : i64, tpu.core_type = #tpu.core_type<sc_vector_subcore>, window_params = [{transform_indices = #map}, {transform_indices = #map}, {transform_indices = #map1}]} {
    %mul3A = arith.constant 2 : i32
    %mul3A_0 = arith.muli %arg1, %mul3A : i32
    %add3A = arith.addi %mul3A_0, %arg0 : i32
    %mul3A_1 = arith.constant 128 : i32
    %mul3A_2 = arith.muli %add3A, %mul3A_1 : i32
    "tpu.region"() ({
      %run_scoped3A = tpu.sem_alloc : memref<!tpu.dma_semaphore, #tpu.memory_space<semaphore_mem>>
      %dma_start3A_128 = arith.constant 0 : i32
      %dma_start3A_129 = tpu.memref_slice %arg2[%mul3A_2, %dma_start3A_128] : memref<4096x200xi32, #tpu.memory_space<hbm>> -> memref<128x200xi32, #tpu.memory_space<hbm>>
      %dma_start3A_130 = arith.constant 0 : i32
      %dma_start3A_131 = tpu.memref_slice %arg2[%mul3A_2, %dma_start3A_130] : memref<4096x200xi32, #tpu.memory_space<hbm>> -> memref<128x200xi32, #tpu.memory_space<hbm>>
      tpu.enqueue_dma source(%dma_start3A_131 : memref<128x200xi32, #tpu.memory_space<hbm>>) target(%arg5 : memref<128x200xi32, #tpu.memory_space<vmem>>) target_semaphore(%run_scoped3A : memref<!tpu.dma_semaphore, #tpu.memory_space<semaphore_mem>>)
      %dma_wait3A_132 = arith.constant 0 : i32
      %dma_wait3A_133 = tpu.memref_slice %arg2[%mul3A_2, %dma_wait3A_132] : memref<4096x200xi32, #tpu.memory_space<hbm>> -> memref<128x200xi32, #tpu.memory_space<hbm>>
      %dma_wait3A_134 = arith.constant 0 : i32
      %dma_wait3A_135 = tpu.memref_slice %arg2[%mul3A_2, %dma_wait3A_134] : memref<4096x200xi32, #tpu.memory_space<hbm>> -> memref<128x200xi32, #tpu.memory_space<hbm>>
      tpu.wait_dma2 semaphore(%run_scoped3A : memref<!tpu.dma_semaphore, #tpu.memory_space<semaphore_mem>>) src(%dma_wait3A_135 : memref<128x200xi32, #tpu.memory_space<hbm>>) dst(%arg5 : memref<128x200xi32, #tpu.memory_space<vmem>>)
      tpu.yield
    }) : () -> ()
    %scan3A = arith.constant 0 : i32
    %scan3A_3 = arith.constant 128 : i32
    %scan3A_4 = arith.addi %scan3A, %scan3A_3 : i32
    %scan3A_5 = arith.constant 1 : i32
    scf.for %scan3A_128 = %scan3A to %scan3A_4 step %scan3A_5  : i32 {
      %mul3A_129 = arith.constant 1 : i32
      %mul3A_130 = arith.muli %scan3A_128, %mul3A_129 : i32
      %add3A_131 = arith.constant 0 : i32
      %add3A_132 = arith.addi %add3A_131, %mul3A_130 : i32
      %get3A = arith.index_cast %add3A_132 : i32 to index
      %get3A_133 = arith.constant 0 : index
      %get3A_134 = tpu.vector_load %arg5[%get3A, %get3A_133] {strides = array<i32>} : memref<128x200xi32, #tpu.memory_space<vmem>>, vector<1x16xi32>,
      %get3A_135 = vector.shape_cast %get3A_134 : vector<1x16xi32> to vector<16xi32>
      %and3A = arith.constant -1024 : i32
      %and3A_136 = vector.broadcast %and3A : i32 to vector<16xi32>
      %and3A_137 = arith.andi %get3A_135, %and3A_136 : vector<16xi32>
      %and3A_138 = arith.constant 511 : i32
      %and3A_139 = vector.broadcast %and3A_138 : i32 to vector<16xi32>
      %and3A_140 = arith.andi %get3A_135, %and3A_139 : vector<16xi32>
      %shift_left3A = arith.constant 1 : i32
      %shift_left3A_141 = vector.broadcast %shift_left3A : i32 to vector<16xi32>
      %shift_left3A_142 = arith.shli %and3A_140, %shift_left3A_141 : vector<16xi32>
      %add3A_143 = arith.addi %and3A_137, %shift_left3A_142 : vector<16xi32>
      %shift_right_arithmetic3A = arith.constant 9 : i32
      %shift_right_arithmetic3A_144 = vector.broadcast %shift_right_arithmetic3A : i32 to vector<16xi32>
      %shift_right_arithmetic3A_145 = arith.shrsi %get3A_135, %shift_right_arithmetic3A_144 : vector<16xi32>
      %and3A_146 = arith.constant 1 : i32
      %and3A_147 = vector.broadcast %and3A_146 : i32 to vector<16xi32>
      %and3A_148 = arith.andi %shift_right_arithmetic3A_145, %and3A_147 : vector<16xi32>
      %add3A_149 = arith.addi %add3A_143, %and3A_148 : vector<16xi32>
      %swap3A = arith.index_cast %add3A_132 : i32 to index
      %swap3A_150 = arith.constant 0 : index
      %swap3A_151 = tpu.vector_load %arg6[%swap3A, %swap3A_150] {strides = array<i32>} : memref<128x200xi32, #tpu.memory_space<vmem>>, vector<1x16xi32>,
      %swap3A_152 = vector.shape_cast %swap3A_151 : vector<1x16xi32> to vector<16xi32>
      %swap3A_153 = vector.shape_cast %add3A_149 : vector<16xi32> to vector<1x16xi32>
      tpu.vector_store %arg6[%swap3A, %swap3A_150], %swap3A_153 {strides = array<i32>} : memref<128x200xi32, #tpu.memory_space<vmem>>, vector<1x16xi32>,
      %get3A_154 = arith.index_cast %add3A_132 : i32 to index
      %get3A_155 = arith.constant 16 : index
      %get3A_156 = tpu.vector_load %arg5[%get3A_154, %get3A_155] {strides = array<i32>} : memref<128x200xi32, #tpu.memory_space<vmem>>, vector<1x16xi32>,
      %get3A_157 = vector.shape_cast %get3A_156 : vector<1x16xi32> to vector<16xi32>
      %and3A_158 = arith.constant -1024 : i32
      %and3A_159 = vector.broadcast %and3A_158 : i32 to vector<16xi32>
      %and3A_160 = arith.andi %get3A_157, %and3A_159 : vector<16xi32>
      %and3A_161 = arith.constant 511 : i32
      %and3A_162 = vector.broadcast %and3A_161 : i32 to vector<16xi32>
      %and3A_163 = arith.andi %get3A_157, %and3A_162 : vector<16xi32>
      %shift_left3A_164 = arith.constant 1 : i32
      %shift_left3A_165 = vector.broadcast %shift_left3A_164 : i32 to vector<16xi32>
      %shift_left3A_166 = arith.shli %and3A_163, %shift_left3A_165 : vector<16xi32>
      %add3A_167 = arith.addi %and3A_160, %shift_left3A_166 : vector<16xi32>
      %shift_right_arithmetic3A_168 = arith.constant 9 : i32
      %shift_right_arithmetic3A_169 = vector.broadcast %shift_right_arithmetic3A_168 : i32 to vector<16xi32>
      %shift_right_arithmetic3A_170 = arith.shrsi %get3A_157, %shift_right_arithmetic3A_169 : vector<16xi32>
      %and3A_171 = arith.constant 1 : i32
      %and3A_172 = vector.broadcast %and3A_171 : i32 to vector<16xi32>
      %and3A_173 = arith.andi %shift_right_arithmetic3A_170, %and3A_172 : vector<16xi32>
      %add3A_174 = arith.addi %add3A_167, %and3A_173 : vector<16xi32>
      %swap3A_175 = arith.index_cast %add3A_132 : i32 to index
      %swap3A_176 = arith.constant 16 : index
      %swap3A_177 = tpu.vector_load %arg6[%swap3A_175, %swap3A_176] {strides = array<i32>} : memref<128x200xi32, #tpu.memory_space<vmem>>, vector<1x16xi32>,
      %swap3A_178 = vector.shape_cast %swap3A_177 : vector<1x16xi32> to vector<16xi32>
      %swap3A_179 = vector.shape_cast %add3A_174 : vector<16xi32> to vector<1x16xi32>
      tpu.vector_store %arg6[%swap3A_175, %swap3A_176], %swap3A_179 {strides = array<i32>} : memref<128x200xi32, #tpu.memory_space<vmem>>, vector<1x16xi32>,
      %get3A_180 = arith.index_cast %add3A_132 : i32 to index
      %get3A_181 = arith.constant 32 : index
      %get3A_182 = tpu.vector_load %arg5[%get3A_180, %get3A_181] {strides = array<i32>} : memref<128x200xi32, #tpu.memory_space<vmem>>, vector<1x16xi32>,
      %get3A_183 = vector.shape_cast %get3A_182 : vector<1x16xi32> to vector<16xi32>
      %and3A_184 = arith.constant -1024 : i32
      %and3A_185 = vector.broadcast %and3A_184 : i32 to vector<16xi32>
      %and3A_186 = arith.andi %get3A_183, %and3A_185 : vector<16xi32>
      %and3A_187 = arith.constant 511 : i32
      %and3A_188 = vector.broadcast %and3A_187 : i32 to vector<16xi32>
      %and3A_189 = arith.andi %get3A_183, %and3A_188 : vector<16xi32>
      %shift_left3A_190 = arith.constant 1 : i32
      %shift_left3A_191 = vector.broadcast %shift_left3A_190 : i32 to vector<16xi32>
      %shift_left3A_192 = arith.shli %and3A_189, %shift_left3A_191 : vector<16xi32>
      %add3A_193 = arith.addi %and3A_186, %shift_left3A_192 : vector<16xi32>
      %shift_right_arithmetic3A_194 = arith.constant 9 : i32
      %shift_right_arithmetic3A_195 = vector.broadcast %shift_right_arithmetic3A_194 : i32 to vector<16xi32>
      %shift_right_arithmetic3A_196 = arith.shrsi %get3A_183, %shift_right_arithmetic3A_195 : vector<16xi32>
      %and3A_197 = arith.constant 1 : i32
      %and3A_198 = vector.broadcast %and3A_197 : i32 to vector<16xi32>
      %and3A_199 = arith.andi %shift_right_arithmetic3A_196, %and3A_198 : vector<16xi32>
      %add3A_200 = arith.addi %add3A_193, %and3A_199 : vector<16xi32>
      %swap3A_201 = arith.index_cast %add3A_132 : i32 to index
      %swap3A_202 = arith.constant 32 : index
      %swap3A_203 = tpu.vector_load %arg6[%swap3A_201, %swap3A_202] {strides = array<i32>} : memref<128x200xi32, #tpu.memory_space<vmem>>, vector<1x16xi32>,
      %swap3A_204 = vector.shape_cast %swap3A_203 : vector<1x16xi32> to vector<16xi32>
      %swap3A_205 = vector.shape_cast %add3A_200 : vector<16xi32> to vector<1x16xi32>
      tpu.vector_store %arg6[%swap3A_201, %swap3A_202], %swap3A_205 {strides = array<i32>} : memref<128x200xi32, #tpu.memory_space<vmem>>, vector<1x16xi32>,
      %get3A_206 = arith.index_cast %add3A_132 : i32 to index
      %get3A_207 = arith.constant 48 : index
      %get3A_208 = tpu.vector_load %arg5[%get3A_206, %get3A_207] {strides = array<i32>} : memref<128x200xi32, #tpu.memory_space<vmem>>, vector<1x16xi32>,
      %get3A_209 = vector.shape_cast %get3A_208 : vector<1x16xi32> to vector<16xi32>
      %and3A_210 = arith.constant -1024 : i32
      %and3A_211 = vector.broadcast %and3A_210 : i32 to vector<16xi32>
      %and3A_212 = arith.andi %get3A_209, %and3A_211 : vector<16xi32>
      %and3A_213 = arith.constant 511 : i32
      %and3A_214 = vector.broadcast %and3A_213 : i32 to vector<16xi32>
      %and3A_215 = arith.andi %get3A_209, %and3A_214 : vector<16xi32>
      %shift_left3A_216 = arith.constant 1 : i32
      %shift_left3A_217 = vector.broadcast %shift_left3A_216 : i32 to vector<16xi32>
      %shift_left3A_218 = arith.shli %and3A_215, %shift_left3A_217 : vector<16xi32>
      %add3A_219 = arith.addi %and3A_212, %shift_left3A_218 : vector<16xi32>
      %shift_right_arithmetic3A_220 = arith.constant 9 : i32
      %shift_right_arithmetic3A_221 = vector.broadcast %shift_right_arithmetic3A_220 : i32 to vector<16xi32>
      %shift_right_arithmetic3A_222 = arith.shrsi %get3A_209, %shift_right_arithmetic3A_221 : vector<16xi32>
      %and3A_223 = arith.constant 1 : i32
      %and3A_224 = vector.broadcast %and3A_223 : i32 to vector<16xi32>
      %and3A_225 = arith.andi %shift_right_arithmetic3A_222, %and3A_224 : vector<16xi32>
      %add3A_226 = arith.addi %add3A_219, %and3A_225 : vector<16xi32>
      %swap3A_227 = arith.index_cast %add3A_132 : i32 to index
      %swap3A_228 = arith.constant 48 : index
      %swap3A_229 = tpu.vector_load %arg6[%swap3A_227, %swap3A_228] {strides = array<i32>} : memref<128x200xi32, #tpu.memory_space<vmem>>, vector<1x16xi32>,
      %swap3A_230 = vector.shape_cast %swap3A_229 : vector<1x16xi32> to vector<16xi32>
      %swap3A_231 = vector.shape_cast %add3A_226 : vector<16xi32> to vector<1x16xi32>
      tpu.vector_store %arg6[%swap3A_227, %swap3A_228], %swap3A_231 {strides = array<i32>} : memref<128x200xi32, #tpu.memory_space<vmem>>, vector<1x16xi32>,
      %get3A_232 = arith.index_cast %add3A_132 : i32 to index
      %get3A_233 = arith.constant 64 : index
      %get3A_234 = tpu.vector_load %arg5[%get3A_232, %get3A_233] {strides = array<i32>} : memref<128x200xi32, #tpu.memory_space<vmem>>, vector<1x16xi32>,
      %get3A_235 = vector.shape_cast %get3A_234 : vector<1x16xi32> to vector<16xi32>
      %and3A_236 = arith.constant -1024 : i32
      %and3A_237 = vector.broadcast %and3A_236 : i32 to vector<16xi32>
      %and3A_238 = arith.andi %get3A_235, %and3A_237 : vector<16xi32>
      %and3A_239 = arith.constant 511 : i32
      %and3A_240 = vector.broadcast %and3A_239 : i32 to vector<16xi32>
      %and3A_241 = arith.andi %get3A_235, %and3A_240 : vector<16xi32>
      %shift_left3A_242 = arith.constant 1 : i32
      %shift_left3A_243 = vector.broadcast %shift_left3A_242 : i32 to vector<16xi32>
      %shift_left3A_244 = arith.shli %and3A_241, %shift_left3A_243 : vector<16xi32>
      %add3A_245 = arith.addi %and3A_238, %shift_left3A_244 : vector<16xi32>
      %shift_right_arithmetic3A_246 = arith.constant 9 : i32
      %shift_right_arithmetic3A_247 = vector.broadcast %shift_right_arithmetic3A_246 : i32 to vector<16xi32>
      %shift_right_arithmetic3A_248 = arith.shrsi %get3A_235, %shift_right_arithmetic3A_247 : vector<16xi32>
      %and3A_249 = arith.constant 1 : i32
      %and3A_250 = vector.broadcast %and3A_249 : i32 to vector<16xi32>
      %and3A_251 = arith.andi %shift_right_arithmetic3A_248, %and3A_250 : vector<16xi32>
      %add3A_252 = arith.addi %add3A_245, %and3A_251 : vector<16xi32>
      %swap3A_253 = arith.index_cast %add3A_132 : i32 to index
      %swap3A_254 = arith.constant 64 : index
      %swap3A_255 = tpu.vector_load %arg6[%swap3A_253, %swap3A_254] {strides = array<i32>} : memref<128x200xi32, #tpu.memory_space<vmem>>, vector<1x16xi32>,
      %swap3A_256 = vector.shape_cast %swap3A_255 : vector<1x16xi32> to vector<16xi32>
      %swap3A_257 = vector.shape_cast %add3A_252 : vector<16xi32> to vector<1x16xi32>
      tpu.vector_store %arg6[%swap3A_253, %swap3A_254], %swap3A_257 {strides = array<i32>} : memref<128x200xi32, #tpu.memory_space<vmem>>, vector<1x16xi32>,
      %get3A_258 = arith.index_cast %add3A_132 : i32 to index
      %get3A_259 = arith.constant 80 : index
      %get3A_260 = tpu.vector_load %arg5[%get3A_258, %get3A_259] {strides = array<i32>} : memref<128x200xi32, #tpu.memory_space<vmem>>, vector<1x16xi32>,
      %get3A_261 = vector.shape_cast %get3A_260 : vector<1x16xi32> to vector<16xi32>
      %and3A_262 = arith.constant -1024 : i32
      %and3A_263 = vector.broadcast %and3A_262 : i32 to vector<16xi32>
      %and3A_264 = arith.andi %get3A_261, %and3A_263 : vector<16xi32>
      %and3A_265 = arith.constant 511 : i32
      %and3A_266 = vector.broadcast %and3A_265 : i32 to vector<16xi32>
      %and3A_267 = arith.andi %get3A_261, %and3A_266 : vector<16xi32>
      %shift_left3A_268 = arith.constant 1 : i32
      %shift_left3A_269 = vector.broadcast %shift_left3A_268 : i32 to vector<16xi32>
      %shift_left3A_270 = arith.shli %and3A_267, %shift_left3A_269 : vector<16xi32>
      %add3A_271 = arith.addi %and3A_264, %shift_left3A_270 : vector<16xi32>
      %shift_right_arithmetic3A_272 = arith.constant 9 : i32
      %shift_right_arithmetic3A_273 = vector.broadcast %shift_right_arithmetic3A_272 : i32 to vector<16xi32>
      %shift_right_arithmetic3A_274 = arith.shrsi %get3A_261, %shift_right_arithmetic3A_273 : vector<16xi32>
      %and3A_275 = arith.constant 1 : i32
      %and3A_276 = vector.broadcast %and3A_275 : i32 to vector<16xi32>
      %and3A_277 = arith.andi %shift_right_arithmetic3A_274, %and3A_276 : vector<16xi32>
      %add3A_278 = arith.addi %add3A_271, %and3A_277 : vector<16xi32>
      %swap3A_279 = arith.index_cast %add3A_132 : i32 to index
      %swap3A_280 = arith.constant 80 : index
      %swap3A_281 = tpu.vector_load %arg6[%swap3A_279, %swap3A_280] {strides = array<i32>} : memref<128x200xi32, #tpu.memory_space<vmem>>, vector<1x16xi32>,
      %swap3A_282 = vector.shape_cast %swap3A_281 : vector<1x16xi32> to vector<16xi32>
      %swap3A_283 = vector.shape_cast %add3A_278 : vector<16xi32> to vector<1x16xi32>
      tpu.vector_store %arg6[%swap3A_279, %swap3A_280], %swap3A_283 {strides = array<i32>} : memref<128x200xi32, #tpu.memory_space<vmem>>, vector<1x16xi32>,
      %get3A_284 = arith.index_cast %add3A_132 : i32 to index
      %get3A_285 = arith.constant 96 : index
      %get3A_286 = tpu.vector_load %arg5[%get3A_284, %get3A_285] {strides = array<i32>} : memref<128x200xi32, #tpu.memory_space<vmem>>, vector<1x16xi32>,
      %get3A_287 = vector.shape_cast %get3A_286 : vector<1x16xi32> to vector<16xi32>
      %and3A_288 = arith.constant -1024 : i32
      %and3A_289 = vector.broadcast %and3A_288 : i32 to vector<16xi32>
      %and3A_290 = arith.andi %get3A_287, %and3A_289 : vector<16xi32>
      %and3A_291 = arith.constant 511 : i32
      %and3A_292 = vector.broadcast %and3A_291 : i32 to vector<16xi32>
      %and3A_293 = arith.andi %get3A_287, %and3A_292 : vector<16xi32>
      %shift_left3A_294 = arith.constant 1 : i32
      %shift_left3A_295 = vector.broadcast %shift_left3A_294 : i32 to vector<16xi32>
      %shift_left3A_296 = arith.shli %and3A_293, %shift_left3A_295 : vector<16xi32>
      %add3A_297 = arith.addi %and3A_290, %shift_left3A_296 : vector<16xi32>
      %shift_right_arithmetic3A_298 = arith.constant 9 : i32
      %shift_right_arithmetic3A_299 = vector.broadcast %shift_right_arithmetic3A_298 : i32 to vector<16xi32>
      %shift_right_arithmetic3A_300 = arith.shrsi %get3A_287, %shift_right_arithmetic3A_299 : vector<16xi32>
      %and3A_301 = arith.constant 1 : i32
      %and3A_302 = vector.broadcast %and3A_301 : i32 to vector<16xi32>
      %and3A_303 = arith.andi %shift_right_arithmetic3A_300, %and3A_302 : vector<16xi32>
      %add3A_304 = arith.addi %add3A_297, %and3A_303 : vector<16xi32>
      %swap3A_305 = arith.index_cast %add3A_132 : i32 to index
      %swap3A_306 = arith.constant 96 : index
      %swap3A_307 = tpu.vector_load %arg6[%swap3A_305, %swap3A_306] {strides = array<i32>} : memref<128x200xi32, #tpu.memory_space<vmem>>, vector<1x16xi32>,
      %swap3A_308 = vector.shape_cast %swap3A_307 : vector<1x16xi32> to vector<16xi32>
      %swap3A_309 = vector.shape_cast %add3A_304 : vector<16xi32> to vector<1x16xi32>
      tpu.vector_store %arg6[%swap3A_305, %swap3A_306], %swap3A_309 {strides = array<i32>} : memref<128x200xi32, #tpu.memory_space<vmem>>, vector<1x16xi32>,
      %get3A_310 = arith.index_cast %add3A_132 : i32 to index
      %get3A_311 = arith.constant 112 : index
      %get3A_312 = tpu.vector_load %arg5[%get3A_310, %get3A_311] {strides = array<i32>} : memref<128x200xi32, #tpu.memory_space<vmem>>, vector<1x16xi32>,
      %get3A_313 = vector.shape_cast %get3A_312 : vector<1x16xi32> to vector<16xi32>
      %and3A_314 = arith.constant -1024 : i32
      %and3A_315 = vector.broadcast %and3A_314 : i32 to vector<16xi32>
      %and3A_316 = arith.andi %get3A_313, %and3A_315 : vector<16xi32>
      %and3A_317 = arith.constant 511 : i32
      %and3A_318 = vector.broadcast %and3A_317 : i32 to vector<16xi32>
      %and3A_319 = arith.andi %get3A_313, %and3A_318 : vector<16xi32>
      %shift_left3A_320 = arith.constant 1 : i32
      %shift_left3A_321 = vector.broadcast %shift_left3A_320 : i32 to vector<16xi32>
      %shift_left3A_322 = arith.shli %and3A_319, %shift_left3A_321 : vector<16xi32>
      %add3A_323 = arith.addi %and3A_316, %shift_left3A_322 : vector<16xi32>
      %shift_right_arithmetic3A_324 = arith.constant 9 : i32
      %shift_right_arithmetic3A_325 = vector.broadcast %shift_right_arithmetic3A_324 : i32 to vector<16xi32>
      %shift_right_arithmetic3A_326 = arith.shrsi %get3A_313, %shift_right_arithmetic3A_325 : vector<16xi32>
      %and3A_327 = arith.constant 1 : i32
      %and3A_328 = vector.broadcast %and3A_327 : i32 to vector<16xi32>
      %and3A_329 = arith.andi %shift_right_arithmetic3A_326, %and3A_328 : vector<16xi32>
      %add3A_330 = arith.addi %add3A_323, %and3A_329 : vector<16xi32>
      %swap3A_331 = arith.index_cast %add3A_132 : i32 to index
      %swap3A_332 = arith.constant 112 : index
      %swap3A_333 = tpu.vector_load %arg6[%swap3A_331, %swap3A_332] {strides = array<i32>} : memref<128x200xi32, #tpu.memory_space<vmem>>, vector<1x16xi32>,
      %swap3A_334 = vector.shape_cast %swap3A_333 : vector<1x16xi32> to vector<16xi32>
      %swap3A_335 = vector.shape_cast %add3A_330 : vector<16xi32> to vector<1x16xi32>
      tpu.vector_store %arg6[%swap3A_331, %swap3A_332], %swap3A_335 {strides = array<i32>} : memref<128x200xi32, #tpu.memory_space<vmem>>, vector<1x16xi32>,
      %get3A_336 = arith.index_cast %add3A_132 : i32 to index
      %get3A_337 = arith.constant 128 : index
      %get3A_338 = tpu.vector_load %arg5[%get3A_336, %get3A_337] {strides = array<i32>} : memref<128x200xi32, #tpu.memory_space<vmem>>, vector<1x16xi32>,
      %get3A_339 = vector.shape_cast %get3A_338 : vector<1x16xi32> to vector<16xi32>
      %and3A_340 = arith.constant -1024 : i32
      %and3A_341 = vector.broadcast %and3A_340 : i32 to vector<16xi32>
      %and3A_342 = arith.andi %get3A_339, %and3A_341 : vector<16xi32>
      %and3A_343 = arith.constant 511 : i32
      %and3A_344 = vector.broadcast %and3A_343 : i32 to vector<16xi32>
      %and3A_345 = arith.andi %get3A_339, %and3A_344 : vector<16xi32>
      %shift_left3A_346 = arith.constant 1 : i32
      %shift_left3A_347 = vector.broadcast %shift_left3A_346 : i32 to vector<16xi32>
      %shift_left3A_348 = arith.shli %and3A_345, %shift_left3A_347 : vector<16xi32>
      %add3A_349 = arith.addi %and3A_342, %shift_left3A_348 : vector<16xi32>
      %shift_right_arithmetic3A_350 = arith.constant 9 : i32
      %shift_right_arithmetic3A_351 = vector.broadcast %shift_right_arithmetic3A_350 : i32 to vector<16xi32>
      %shift_right_arithmetic3A_352 = arith.shrsi %get3A_339, %shift_right_arithmetic3A_351 : vector<16xi32>
      %and3A_353 = arith.constant 1 : i32
      %and3A_354 = vector.broadcast %and3A_353 : i32 to vector<16xi32>
      %and3A_355 = arith.andi %shift_right_arithmetic3A_352, %and3A_354 : vector<16xi32>
      %add3A_356 = arith.addi %add3A_349, %and3A_355 : vector<16xi32>
      %swap3A_357 = arith.index_cast %add3A_132 : i32 to index
      %swap3A_358 = arith.constant 128 : index
      %swap3A_359 = tpu.vector_load %arg6[%swap3A_357, %swap3A_358] {strides = array<i32>} : memref<128x200xi32, #tpu.memory_space<vmem>>, vector<1x16xi32>,
      %swap3A_360 = vector.shape_cast %swap3A_359 : vector<1x16xi32> to vector<16xi32>
      %swap3A_361 = vector.shape_cast %add3A_356 : vector<16xi32> to vector<1x16xi32>
      tpu.vector_store %arg6[%swap3A_357, %swap3A_358], %swap3A_361 {strides = array<i32>} : memref<128x200xi32, #tpu.memory_space<vmem>>, vector<1x16xi32>,
      %get3A_362 = arith.index_cast %add3A_132 : i32 to index
      %get3A_363 = arith.constant 144 : index
      %get3A_364 = tpu.vector_load %arg5[%get3A_362, %get3A_363] {strides = array<i32>} : memref<128x200xi32, #tpu.memory_space<vmem>>, vector<1x16xi32>,
      %get3A_365 = vector.shape_cast %get3A_364 : vector<1x16xi32> to vector<16xi32>
      %and3A_366 = arith.constant -1024 : i32
      %and3A_367 = vector.broadcast %and3A_366 : i32 to vector<16xi32>
      %and3A_368 = arith.andi %get3A_365, %and3A_367 : vector<16xi32>
      %and3A_369 = arith.constant 511 : i32
      %and3A_370 = vector.broadcast %and3A_369 : i32 to vector<16xi32>
      %and3A_371 = arith.andi %get3A_365, %and3A_370 : vector<16xi32>
      %shift_left3A_372 = arith.constant 1 : i32
      %shift_left3A_373 = vector.broadcast %shift_left3A_372 : i32 to vector<16xi32>
      %shift_left3A_374 = arith.shli %and3A_371, %shift_left3A_373 : vector<16xi32>
      %add3A_375 = arith.addi %and3A_368, %shift_left3A_374 : vector<16xi32>
      %shift_right_arithmetic3A_376 = arith.constant 9 : i32
      %shift_right_arithmetic3A_377 = vector.broadcast %shift_right_arithmetic3A_376 : i32 to vector<16xi32>
      %shift_right_arithmetic3A_378 = arith.shrsi %get3A_365, %shift_right_arithmetic3A_377 : vector<16xi32>
      %and3A_379 = arith.constant 1 : i32
      %and3A_380 = vector.broadcast %and3A_379 : i32 to vector<16xi32>
      %and3A_381 = arith.andi %shift_right_arithmetic3A_378, %and3A_380 : vector<16xi32>
      %add3A_382 = arith.addi %add3A_375, %and3A_381 : vector<16xi32>
      %swap3A_383 = arith.index_cast %add3A_132 : i32 to index
      %swap3A_384 = arith.constant 144 : index
      %swap3A_385 = tpu.vector_load %arg6[%swap3A_383, %swap3A_384] {strides = array<i32>} : memref<128x200xi32, #tpu.memory_space<vmem>>, vector<1x16xi32>,
      %swap3A_386 = vector.shape_cast %swap3A_385 : vector<1x16xi32> to vector<16xi32>
      %swap3A_387 = vector.shape_cast %add3A_382 : vector<16xi32> to vector<1x16xi32>
      tpu.vector_store %arg6[%swap3A_383, %swap3A_384], %swap3A_387 {strides = array<i32>} : memref<128x200xi32, #tpu.memory_space<vmem>>, vector<1x16xi32>,
      %get3A_388 = arith.index_cast %add3A_132 : i32 to index
      %get3A_389 = arith.constant 160 : index
      %get3A_390 = tpu.vector_load %arg5[%get3A_388, %get3A_389] {strides = array<i32>} : memref<128x200xi32, #tpu.memory_space<vmem>>, vector<1x16xi32>,
      %get3A_391 = vector.shape_cast %get3A_390 : vector<1x16xi32> to vector<16xi32>
      %and3A_392 = arith.constant -1024 : i32
      %and3A_393 = vector.broadcast %and3A_392 : i32 to vector<16xi32>
      %and3A_394 = arith.andi %get3A_391, %and3A_393 : vector<16xi32>
      %and3A_395 = arith.constant 511 : i32
      %and3A_396 = vector.broadcast %and3A_395 : i32 to vector<16xi32>
      %and3A_397 = arith.andi %get3A_391, %and3A_396 : vector<16xi32>
      %shift_left3A_398 = arith.constant 1 : i32
      %shift_left3A_399 = vector.broadcast %shift_left3A_398 : i32 to vector<16xi32>
      %shift_left3A_400 = arith.shli %and3A_397, %shift_left3A_399 : vector<16xi32>
      %add3A_401 = arith.addi %and3A_394, %shift_left3A_400 : vector<16xi32>
      %shift_right_arithmetic3A_402 = arith.constant 9 : i32
      %shift_right_arithmetic3A_403 = vector.broadcast %shift_right_arithmetic3A_402 : i32 to vector<16xi32>
      %shift_right_arithmetic3A_404 = arith.shrsi %get3A_391, %shift_right_arithmetic3A_403 : vector<16xi32>
      %and3A_405 = arith.constant 1 : i32
      %and3A_406 = vector.broadcast %and3A_405 : i32 to vector<16xi32>
      %and3A_407 = arith.andi %shift_right_arithmetic3A_404, %and3A_406 : vector<16xi32>
      %add3A_408 = arith.addi %add3A_401, %and3A_407 : vector<16xi32>
      %swap3A_409 = arith.index_cast %add3A_132 : i32 to index
      %swap3A_410 = arith.constant 160 : index
      %swap3A_411 = tpu.vector_load %arg6[%swap3A_409, %swap3A_410] {strides = array<i32>} : memref<128x200xi32, #tpu.memory_space<vmem>>, vector<1x16xi32>,
      %swap3A_412 = vector.shape_cast %swap3A_411 : vector<1x16xi32> to vector<16xi32>
      %swap3A_413 = vector.shape_cast %add3A_408 : vector<16xi32> to vector<1x16xi32>
      tpu.vector_store %arg6[%swap3A_409, %swap3A_410], %swap3A_413 {strides = array<i32>} : memref<128x200xi32, #tpu.memory_space<vmem>>, vector<1x16xi32>,
      %get3A_414 = arith.index_cast %add3A_132 : i32 to index
      %get3A_415 = arith.constant 176 : index
      %get3A_416 = tpu.vector_load %arg5[%get3A_414, %get3A_415] {strides = array<i32>} : memref<128x200xi32, #tpu.memory_space<vmem>>, vector<1x16xi32>,
      %get3A_417 = vector.shape_cast %get3A_416 : vector<1x16xi32> to vector<16xi32>
      %and3A_418 = arith.constant -1024 : i32
      %and3A_419 = vector.broadcast %and3A_418 : i32 to vector<16xi32>
      %and3A_420 = arith.andi %get3A_417, %and3A_419 : vector<16xi32>
      %and3A_421 = arith.constant 511 : i32
      %and3A_422 = vector.broadcast %and3A_421 : i32 to vector<16xi32>
      %and3A_423 = arith.andi %get3A_417, %and3A_422 : vector<16xi32>
      %shift_left3A_424 = arith.constant 1 : i32
      %shift_left3A_425 = vector.broadcast %shift_left3A_424 : i32 to vector<16xi32>
      %shift_left3A_426 = arith.shli %and3A_423, %shift_left3A_425 : vector<16xi32>
      %add3A_427 = arith.addi %and3A_420, %shift_left3A_426 : vector<16xi32>
      %shift_right_arithmetic3A_428 = arith.constant 9 : i32
      %shift_right_arithmetic3A_429 = vector.broadcast %shift_right_arithmetic3A_428 : i32 to vector<16xi32>
      %shift_right_arithmetic3A_430 = arith.shrsi %get3A_417, %shift_right_arithmetic3A_429 : vector<16xi32>
      %and3A_431 = arith.constant 1 : i32
      %and3A_432 = vector.broadcast %and3A_431 : i32 to vector<16xi32>
      %and3A_433 = arith.andi %shift_right_arithmetic3A_430, %and3A_432 : vector<16xi32>
      %add3A_434 = arith.addi %add3A_427, %and3A_433 : vector<16xi32>
      %swap3A_435 = arith.index_cast %add3A_132 : i32 to index
      %swap3A_436 = arith.constant 176 : index
      %swap3A_437 = tpu.vector_load %arg6[%swap3A_435, %swap3A_436] {strides = array<i32>} : memref<128x200xi32, #tpu.memory_space<vmem>>, vector<1x16xi32>,
      %swap3A_438 = vector.shape_cast %swap3A_437 : vector<1x16xi32> to vector<16xi32>
      %swap3A_439 = vector.shape_cast %add3A_434 : vector<16xi32> to vector<1x16xi32>
      tpu.vector_store %arg6[%swap3A_435, %swap3A_436], %swap3A_439 {strides = array<i32>} : memref<128x200xi32, #tpu.memory_space<vmem>>, vector<1x16xi32>,
      %get3A_440 = arith.index_cast %add3A_132 : i32 to index
      %get3A_441 = arith.constant 184 : index
      %get3A_442 = tpu.vector_load %arg5[%get3A_440, %get3A_441] {strides = array<i32>} : memref<128x200xi32, #tpu.memory_space<vmem>>, vector<1x16xi32>,
      %get3A_443 = vector.shape_cast %get3A_442 : vector<1x16xi32> to vector<16xi32>
      %and3A_444 = arith.constant -1024 : i32
      %and3A_445 = vector.broadcast %and3A_444 : i32 to vector<16xi32>
      %and3A_446 = arith.andi %get3A_443, %and3A_445 : vector<16xi32>
      %and3A_447 = arith.constant 511 : i32
      %and3A_448 = vector.broadcast %and3A_447 : i32 to vector<16xi32>
      %and3A_449 = arith.andi %get3A_443, %and3A_448 : vector<16xi32>
      %shift_left3A_450 = arith.constant 1 : i32
      %shift_left3A_451 = vector.broadcast %shift_left3A_450 : i32 to vector<16xi32>
      %shift_left3A_452 = arith.shli %and3A_449, %shift_left3A_451 : vector<16xi32>
      %add3A_453 = arith.addi %and3A_446, %shift_left3A_452 : vector<16xi32>
      %shift_right_arithmetic3A_454 = arith.constant 9 : i32
      %shift_right_arithmetic3A_455 = vector.broadcast %shift_right_arithmetic3A_454 : i32 to vector<16xi32>
      %shift_right_arithmetic3A_456 = arith.shrsi %get3A_443, %shift_right_arithmetic3A_455 : vector<16xi32>
      %and3A_457 = arith.constant 1 : i32
      %and3A_458 = vector.broadcast %and3A_457 : i32 to vector<16xi32>
      %and3A_459 = arith.andi %shift_right_arithmetic3A_456, %and3A_458 : vector<16xi32>
      %add3A_460 = arith.addi %add3A_453, %and3A_459 : vector<16xi32>
      %swap3A_461 = arith.index_cast %add3A_132 : i32 to index
      %swap3A_462 = arith.constant 184 : index
      %swap3A_463 = tpu.vector_load %arg6[%swap3A_461, %swap3A_462] {strides = array<i32>} : memref<128x200xi32, #tpu.memory_space<vmem>>, vector<1x16xi32>,
      %swap3A_464 = vector.shape_cast %swap3A_463 : vector<1x16xi32> to vector<16xi32>
      %swap3A_465 = vector.shape_cast %add3A_460 : vector<16xi32> to vector<1x16xi32>
      tpu.vector_store %arg6[%swap3A_461, %swap3A_462], %swap3A_465 {strides = array<i32>} : memref<128x200xi32, #tpu.memory_space<vmem>>, vector<1x16xi32>,
    }
    %scan3A_6 = arith.constant 128 : i32
    %dma_start3A = arith.constant 0 : i32
    %dma_start3A_7 = arith.constant 0 : i32
    %dma_start3A_8 = arith.constant 0 : i32
    %dma_start3A_9 = arith.constant 0 : i32
    %dma_start3A_10 = arith.constant 0 : i32
    %dma_start3A_11 = tpu.memref_slice %arg7[%dma_start3A_7, %dma_start3A_9, %dma_start3A_10] : memref<4x200x64xf32, #tpu.memory_space<vmem>> -> memref<1x200x64xf32, #tpu.memory_space<vmem>>
    %dma_start3A_12 = tpu.memref_squeeze %dma_start3A_11 : memref<1x200x64xf32, #tpu.memory_space<vmem>> -> memref<200x64xf32, #tpu.memory_space<vmem>>
    %dma_start3A_13 = arith.constant 0 : i32
    %dma_start3A_14 = tpu.memref_slice %arg6[%dma_start3A, %dma_start3A_13] : memref<128x200xi32, #tpu.memory_space<vmem>> -> memref<1x200xi32, #tpu.memory_space<vmem>>
    %dma_start3A_15 = tpu.memref_squeeze %dma_start3A_14 : memref<1x200xi32, #tpu.memory_space<vmem>> -> memref<200xi32, #tpu.memory_space<vmem>>
    %dma_start3A_16 = arith.constant 0 : i32
    %dma_start3A_17 = arith.constant 0 : i32
    %dma_start3A_18 = tpu.memref_slice %arg3[%dma_start3A_16, %dma_start3A_17] : memref<1000448x64xf32, #tpu.memory_space<hbm>> -> memref<1000448x64xf32, #tpu.memory_space<hbm>>
    %dma_start3A_19 = tpu.memref_slice %arg8[%dma_start3A_8] : memref<4x!tpu.dma_semaphore, #tpu.memory_space<semaphore_mem>> -> memref<1x!tpu.dma_semaphore, #tpu.memory_space<semaphore_mem>>
    %dma_start3A_20 = tpu.memref_squeeze %dma_start3A_19 : memref<1x!tpu.dma_semaphore, #tpu.memory_space<semaphore_mem>> -> memref<!tpu.dma_semaphore, #tpu.memory_space<semaphore_mem>>
    tpu.enqueue_indirect_dma source(%dma_start3A_18 : memref<1000448x64xf32, #tpu.memory_space<hbm>>) target(%dma_start3A_12 : memref<200x64xf32, #tpu.memory_space<vmem>>) offsets(%dma_start3A_15 : memref<200xi32, #tpu.memory_space<vmem>>) semaphore(%dma_start3A_20 : memref<!tpu.dma_semaphore, #tpu.memory_space<semaphore_mem>>)
    %dma_start3A_21 = arith.constant 1 : i32
    %dma_start3A_22 = arith.constant 1 : i32
    %dma_start3A_23 = arith.constant 1 : i32
    %dma_start3A_24 = arith.constant 0 : i32
    %dma_start3A_25 = arith.constant 0 : i32
    %dma_start3A_26 = tpu.memref_slice %arg7[%dma_start3A_22, %dma_start3A_24, %dma_start3A_25] : memref<4x200x64xf32, #tpu.memory_space<vmem>> -> memref<1x200x64xf32, #tpu.memory_space<vmem>>
    %dma_start3A_27 = tpu.memref_squeeze %dma_start3A_26 : memref<1x200x64xf32, #tpu.memory_space<vmem>> -> memref<200x64xf32, #tpu.memory_space<vmem>>
    %dma_start3A_28 = arith.constant 0 : i32
    %dma_start3A_29 = tpu.memref_slice %arg6[%dma_start3A_21, %dma_start3A_28] : memref<128x200xi32, #tpu.memory_space<vmem>> -> memref<1x200xi32, #tpu.memory_space<vmem>>
    %dma_start3A_30 = tpu.memref_squeeze %dma_start3A_29 : memref<1x200xi32, #tpu.memory_space<vmem>> -> memref<200xi32, #tpu.memory_space<vmem>>
    %dma_start3A_31 = arith.constant 0 : i32
    %dma_start3A_32 = arith.constant 0 : i32
    %dma_start3A_33 = tpu.memref_slice %arg3[%dma_start3A_31, %dma_start3A_32] : memref<1000448x64xf32, #tpu.memory_space<hbm>> -> memref<1000448x64xf32, #tpu.memory_space<hbm>>
    %dma_start3A_34 = tpu.memref_slice %arg8[%dma_start3A_23] : memref<4x!tpu.dma_semaphore, #tpu.memory_space<semaphore_mem>> -> memref<1x!tpu.dma_semaphore, #tpu.memory_space<semaphore_mem>>
    %dma_start3A_35 = tpu.memref_squeeze %dma_start3A_34 : memref<1x!tpu.dma_semaphore, #tpu.memory_space<semaphore_mem>> -> memref<!tpu.dma_semaphore, #tpu.memory_space<semaphore_mem>>
    tpu.enqueue_indirect_dma source(%dma_start3A_33 : memref<1000448x64xf32, #tpu.memory_space<hbm>>) target(%dma_start3A_27 : memref<200x64xf32, #tpu.memory_space<vmem>>) offsets(%dma_start3A_30 : memref<200xi32, #tpu.memory_space<vmem>>) semaphore(%dma_start3A_35 : memref<!tpu.dma_semaphore, #tpu.memory_space<semaphore_mem>>)
    %scan3A_36 = arith.constant 0 : i32
    %scan3A_37 = arith.constant 32 : i32
    %scan3A_38 = arith.addi %scan3A_36, %scan3A_37 : i32
    %scan3A_39 = arith.constant 1 : i32
    scf.for %scan3A_128 = %scan3A_36 to %scan3A_38 step %scan3A_39  : i32 {
      %mul3A_129 = arith.constant 1 : i32
      %mul3A_130 = arith.muli %scan3A_128, %mul3A_129 : i32
      %add3A_131 = arith.constant 0 : i32
      %add3A_132 = arith.addi %add3A_131, %mul3A_130 : i32
      %mul3A_133 = arith.constant 4 : i32
      %mul3A_134 = arith.muli %add3A_132, %mul3A_133 : i32
      %add3A_135 = arith.constant 0 : i32
      %add3A_136 = arith.addi %mul3A_134, %add3A_135 : i32
      %dma_wait3A_137 = arith.constant 0 : i32
      %dma_wait3A_138 = arith.constant 0 : i32
      %dma_wait3A_139 = arith.constant 0 : i32
      %dma_wait3A_140 = arith.constant 0 : i32
      %dma_wait3A_141 = tpu.memref_slice %arg7[%dma_wait3A_137, %dma_wait3A_139, %dma_wait3A_140] : memref<4x200x64xf32, #tpu.memory_space<vmem>> -> memref<1x200x64xf32, #tpu.memory_space<vmem>>
      %dma_wait3A_142 = tpu.memref_squeeze %dma_wait3A_141 : memref<1x200x64xf32, #tpu.memory_space<vmem>> -> memref<200x64xf32, #tpu.memory_space<vmem>>
      %dma_wait3A_143 = arith.constant 0 : i32
      %dma_wait3A_144 = tpu.memref_slice %arg6[%add3A_136, %dma_wait3A_143] : memref<128x200xi32, #tpu.memory_space<vmem>> -> memref<1x200xi32, #tpu.memory_space<vmem>>
      %dma_wait3A_145 = tpu.memref_squeeze %dma_wait3A_144 : memref<1x200xi32, #tpu.memory_space<vmem>> -> memref<200xi32, #tpu.memory_space<vmem>>
      %dma_wait3A_146 = arith.constant 0 : i32
      %dma_wait3A_147 = arith.constant 0 : i32
      %dma_wait3A_148 = tpu.memref_slice %arg3[%dma_wait3A_146, %dma_wait3A_147] : memref<1000448x64xf32, #tpu.memory_space<hbm>> -> memref<1000448x64xf32, #tpu.memory_space<hbm>>
      %dma_wait3A_149 = tpu.memref_slice %arg8[%dma_wait3A_138] : memref<4x!tpu.dma_semaphore, #tpu.memory_space<semaphore_mem>> -> memref<1x!tpu.dma_semaphore, #tpu.memory_space<semaphore_mem>>
      %dma_wait3A_150 = tpu.memref_squeeze %dma_wait3A_149 : memref<1x!tpu.dma_semaphore, #tpu.memory_space<semaphore_mem>> -> memref<!tpu.dma_semaphore, #tpu.memory_space<semaphore_mem>>
      tpu.wait_indirect_dma semaphore(%dma_wait3A_150 : memref<!tpu.dma_semaphore, #tpu.memory_space<semaphore_mem>>) src(%dma_wait3A_148 : memref<1000448x64xf32, #tpu.memory_space<hbm>>) dst(%dma_wait3A_142 : memref<200x64xf32, #tpu.memory_space<vmem>>)
      %add3A_151 = arith.constant 2 : i32
      %add3A_152 = arith.addi %add3A_136, %add3A_151 : i32
      %lt3A = arith.constant 128 : i32
      %lt3A_153 = arith.cmpi slt, %add3A_152, %lt3A : i32
      %convert_element_type3A = arith.extui %lt3A_153 : i1 to i32
      %cond3A = arith.constant 0 : i32
      %cond3A_154 = arith.cmpi ne, %convert_element_type3A, %cond3A : i32
      scf.if %cond3A_154 {
        %add3A_308 = arith.constant 2 : i32
        %add3A_309 = arith.addi %add3A_136, %add3A_308 : i32
        %ge3A = arith.constant 4 : i32
        %ge3A_310 = arith.cmpi sge, %add3A_309, %ge3A : i32
        %convert_element_type3A_311 = arith.extui %ge3A_310 : i1 to i32
        %cond3A_312 = arith.constant 0 : i32
        %cond3A_313 = arith.cmpi ne, %convert_element_type3A_311, %cond3A_312 : i32
        scf.if %cond3A_313 {
          %add3A_330 = arith.constant 0 : i32
          %add3A_331 = arith.addi %mul3A_2, %add3A_330 : i32
          %dma_wait3A_332 = arith.constant 2 : i32
          %dma_wait3A_333 = arith.constant 2 : i32
          %dma_wait3A_334 = arith.constant 0 : i32
          %dma_wait3A_335 = arith.constant 0 : i32
          %dma_wait3A_336 = tpu.memref_slice %arg7[%dma_wait3A_332, %dma_wait3A_334, %dma_wait3A_335] : memref<4x200x64xf32, #tpu.memory_space<vmem>> -> memref<1x200x64xf32, #tpu.memory_space<vmem>>
          %dma_wait3A_337 = tpu.memref_squeeze %dma_wait3A_336 : memref<1x200x64xf32, #tpu.memory_space<vmem>> -> memref<200x64xf32, #tpu.memory_space<vmem>>
          %dma_wait3A_338 = arith.constant 0 : i32
          %dma_wait3A_339 = arith.constant 0 : i32
          %dma_wait3A_340 = tpu.memref_slice %arg4[%add3A_331, %dma_wait3A_338, %dma_wait3A_339] : memref<4096x200x64xf32, #tpu.memory_space<hbm>> -> memref<1x200x64xf32, #tpu.memory_space<hbm>>
          %dma_wait3A_341 = tpu.memref_squeeze %dma_wait3A_340 : memref<1x200x64xf32, #tpu.memory_space<hbm>> -> memref<200x64xf32, #tpu.memory_space<hbm>>
          %dma_wait3A_342 = tpu.memref_slice %arg9[%dma_wait3A_333] : memref<4x!tpu.dma_semaphore, #tpu.memory_space<semaphore_mem>> -> memref<1x!tpu.dma_semaphore, #tpu.memory_space<semaphore_mem>>
          %dma_wait3A_343 = tpu.memref_squeeze %dma_wait3A_342 : memref<1x!tpu.dma_semaphore, #tpu.memory_space<semaphore_mem>> -> memref<!tpu.dma_semaphore, #tpu.memory_space<semaphore_mem>>
          %dma_wait3A_344 = arith.constant 0 : i32
          %dma_wait3A_345 = arith.constant 0 : i32
          %dma_wait3A_346 = tpu.memref_slice %arg4[%add3A_331, %dma_wait3A_344, %dma_wait3A_345] : memref<4096x200x64xf32, #tpu.memory_space<hbm>> -> memref<1x200x64xf32, #tpu.memory_space<hbm>>
          %dma_wait3A_347 = tpu.memref_squeeze %dma_wait3A_346 : memref<1x200x64xf32, #tpu.memory_space<hbm>> -> memref<200x64xf32, #tpu.memory_space<hbm>>
          %dma_wait3A_348 = arith.constant 0 : i32
          %dma_wait3A_349 = arith.constant 0 : i32
          %dma_wait3A_350 = tpu.memref_slice %arg7[%dma_wait3A_332, %dma_wait3A_348, %dma_wait3A_349] : memref<4x200x64xf32, #tpu.memory_space<vmem>> -> memref<1x200x64xf32, #tpu.memory_space<vmem>>
          %dma_wait3A_351 = tpu.memref_squeeze %dma_wait3A_350 : memref<1x200x64xf32, #tpu.memory_space<vmem>> -> memref<200x64xf32, #tpu.memory_space<vmem>>
          tpu.wait_dma2 semaphore(%dma_wait3A_343 : memref<!tpu.dma_semaphore, #tpu.memory_space<semaphore_mem>>) src(%dma_wait3A_351 : memref<200x64xf32, #tpu.memory_space<vmem>>) dst(%dma_wait3A_347 : memref<200x64xf32, #tpu.memory_space<hbm>>)
        } else {
        }
        %add3A_314 = arith.constant 2 : i32
        %add3A_315 = arith.addi %add3A_136, %add3A_314 : i32
        %dma_start3A_316 = arith.constant 2 : i32
        %dma_start3A_317 = arith.constant 2 : i32
        %dma_start3A_318 = arith.constant 0 : i32
        %dma_start3A_319 = arith.constant 0 : i32
        %dma_start3A_320 = tpu.memref_slice %arg7[%dma_start3A_316, %dma_start3A_318, %dma_start3A_319] : memref<4x200x64xf32, #tpu.memory_space<vmem>> -> memref<1x200x64xf32, #tpu.memory_space<vmem>>
        %dma_start3A_321 = tpu.memref_squeeze %dma_start3A_320 : memref<1x200x64xf32, #tpu.memory_space<vmem>> -> memref<200x64xf32, #tpu.memory_space<vmem>>
        %dma_start3A_322 = arith.constant 0 : i32
        %dma_start3A_323 = tpu.memref_slice %arg6[%add3A_315, %dma_start3A_322] : memref<128x200xi32, #tpu.memory_space<vmem>> -> memref<1x200xi32, #tpu.memory_space<vmem>>
        %dma_start3A_324 = tpu.memref_squeeze %dma_start3A_323 : memref<1x200xi32, #tpu.memory_space<vmem>> -> memref<200xi32, #tpu.memory_space<vmem>>
        %dma_start3A_325 = arith.constant 0 : i32
        %dma_start3A_326 = arith.constant 0 : i32
        %dma_start3A_327 = tpu.memref_slice %arg3[%dma_start3A_325, %dma_start3A_326] : memref<1000448x64xf32, #tpu.memory_space<hbm>> -> memref<1000448x64xf32, #tpu.memory_space<hbm>>
        %dma_start3A_328 = tpu.memref_slice %arg8[%dma_start3A_317] : memref<4x!tpu.dma_semaphore, #tpu.memory_space<semaphore_mem>> -> memref<1x!tpu.dma_semaphore, #tpu.memory_space<semaphore_mem>>
        %dma_start3A_329 = tpu.memref_squeeze %dma_start3A_328 : memref<1x!tpu.dma_semaphore, #tpu.memory_space<semaphore_mem>> -> memref<!tpu.dma_semaphore, #tpu.memory_space<semaphore_mem>>
        tpu.enqueue_indirect_dma source(%dma_start3A_327 : memref<1000448x64xf32, #tpu.memory_space<hbm>>) target(%dma_start3A_321 : memref<200x64xf32, #tpu.memory_space<vmem>>) offsets(%dma_start3A_324 : memref<200xi32, #tpu.memory_space<vmem>>) semaphore(%dma_start3A_329 : memref<!tpu.dma_semaphore, #tpu.memory_space<semaphore_mem>>)
      } else {
      }
      %add3A_155 = arith.addi %mul3A_2, %add3A_136 : i32
      %dma_start3A_156 = arith.constant 0 : i32
      %dma_start3A_157 = arith.constant 0 : i32
      %dma_start3A_158 = arith.constant 0 : i32
      %dma_start3A_159 = arith.constant 0 : i32
      %dma_start3A_160 = tpu.memref_slice %arg7[%dma_start3A_156, %dma_start3A_158, %dma_start3A_159] : memref<4x200x64xf32, #tpu.memory_space<vmem>> -> memref<1x200x64xf32, #tpu.memory_space<vmem>>
      %dma_start3A_161 = tpu.memref_squeeze %dma_start3A_160 : memref<1x200x64xf32, #tpu.memory_space<vmem>> -> memref<200x64xf32, #tpu.memory_space<vmem>>
      %dma_start3A_162 = arith.constant 0 : i32
      %dma_start3A_163 = arith.constant 0 : i32
      %dma_start3A_164 = tpu.memref_slice %arg4[%add3A_155, %dma_start3A_162, %dma_start3A_163] : memref<4096x200x64xf32, #tpu.memory_space<hbm>> -> memref<1x200x64xf32, #tpu.memory_space<hbm>>
      %dma_start3A_165 = tpu.memref_squeeze %dma_start3A_164 : memref<1x200x64xf32, #tpu.memory_space<hbm>> -> memref<200x64xf32, #tpu.memory_space<hbm>>
      %dma_start3A_166 = tpu.memref_slice %arg9[%dma_start3A_157] : memref<4x!tpu.dma_semaphore, #tpu.memory_space<semaphore_mem>> -> memref<1x!tpu.dma_semaphore, #tpu.memory_space<semaphore_mem>>
      %dma_start3A_167 = tpu.memref_squeeze %dma_start3A_166 : memref<1x!tpu.dma_semaphore, #tpu.memory_space<semaphore_mem>> -> memref<!tpu.dma_semaphore, #tpu.memory_space<semaphore_mem>>
      %dma_start3A_168 = arith.constant 0 : i32
      %dma_start3A_169 = arith.constant 0 : i32
      %dma_start3A_170 = tpu.memref_slice %arg4[%add3A_155, %dma_start3A_168, %dma_start3A_169] : memref<4096x200x64xf32, #tpu.memory_space<hbm>> -> memref<1x200x64xf32, #tpu.memory_space<hbm>>
      %dma_start3A_171 = tpu.memref_squeeze %dma_start3A_170 : memref<1x200x64xf32, #tpu.memory_space<hbm>> -> memref<200x64xf32, #tpu.memory_space<hbm>>
      %dma_start3A_172 = arith.constant 0 : i32
      %dma_start3A_173 = arith.constant 0 : i32
      %dma_start3A_174 = tpu.memref_slice %arg7[%dma_start3A_156, %dma_start3A_172, %dma_start3A_173] : memref<4x200x64xf32, #tpu.memory_space<vmem>> -> memref<1x200x64xf32, #tpu.memory_space<vmem>>
      %dma_start3A_175 = tpu.memref_squeeze %dma_start3A_174 : memref<1x200x64xf32, #tpu.memory_space<vmem>> -> memref<200x64xf32, #tpu.memory_space<vmem>>
      tpu.enqueue_dma source(%dma_start3A_175 : memref<200x64xf32, #tpu.memory_space<vmem>>) target(%dma_start3A_171 : memref<200x64xf32, #tpu.memory_space<hbm>>) target_semaphore(%dma_start3A_167 : memref<!tpu.dma_semaphore, #tpu.memory_space<semaphore_mem>>)
      %add3A_176 = arith.constant 1 : i32
      %add3A_177 = arith.addi %mul3A_134, %add3A_176 : i32
      %dma_wait3A_178 = arith.constant 1 : i32
      %dma_wait3A_179 = arith.constant 1 : i32
      %dma_wait3A_180 = arith.constant 0 : i32
      %dma_wait3A_181 = arith.constant 0 : i32
      %dma_wait3A_182 = tpu.memref_slice %arg7[%dma_wait3A_178, %dma_wait3A_180, %dma_wait3A_181] : memref<4x200x64xf32, #tpu.memory_space<vmem>> -> memref<1x200x64xf32, #tpu.memory_space<vmem>>
      %dma_wait3A_183 = tpu.memref_squeeze %dma_wait3A_182 : memref<1x200x64xf32, #tpu.memory_space<vmem>> -> memref<200x64xf32, #tpu.memory_space<vmem>>
      %dma_wait3A_184 = arith.constant 0 : i32
      %dma_wait3A_185 = tpu.memref_slice %arg6[%add3A_177, %dma_wait3A_184] : memref<128x200xi32, #tpu.memory_space<vmem>> -> memref<1x200xi32, #tpu.memory_space<vmem>>
      %dma_wait3A_186 = tpu.memref_squeeze %dma_wait3A_185 : memref<1x200xi32, #tpu.memory_space<vmem>> -> memref<200xi32, #tpu.memory_space<vmem>>
      %dma_wait3A_187 = arith.constant 0 : i32
      %dma_wait3A_188 = arith.constant 0 : i32
      %dma_wait3A_189 = tpu.memref_slice %arg3[%dma_wait3A_187, %dma_wait3A_188] : memref<1000448x64xf32, #tpu.memory_space<hbm>> -> memref<1000448x64xf32, #tpu.memory_space<hbm>>
      %dma_wait3A_190 = tpu.memref_slice %arg8[%dma_wait3A_179] : memref<4x!tpu.dma_semaphore, #tpu.memory_space<semaphore_mem>> -> memref<1x!tpu.dma_semaphore, #tpu.memory_space<semaphore_mem>>
      %dma_wait3A_191 = tpu.memref_squeeze %dma_wait3A_190 : memref<1x!tpu.dma_semaphore, #tpu.memory_space<semaphore_mem>> -> memref<!tpu.dma_semaphore, #tpu.memory_space<semaphore_mem>>
      tpu.wait_indirect_dma semaphore(%dma_wait3A_191 : memref<!tpu.dma_semaphore, #tpu.memory_space<semaphore_mem>>) src(%dma_wait3A_189 : memref<1000448x64xf32, #tpu.memory_space<hbm>>) dst(%dma_wait3A_183 : memref<200x64xf32, #tpu.memory_space<vmem>>)
      %add3A_192 = arith.constant 2 : i32
      %add3A_193 = arith.addi %add3A_177, %add3A_192 : i32
      %lt3A_194 = arith.constant 128 : i32
      %lt3A_195 = arith.cmpi slt, %add3A_193, %lt3A_194 : i32
      %convert_element_type3A_196 = arith.extui %lt3A_195 : i1 to i32
      %cond3A_197 = arith.constant 0 : i32
      %cond3A_198 = arith.cmpi ne, %convert_element_type3A_196, %cond3A_197 : i32
      scf.if %cond3A_198 {
        %add3A_308 = arith.constant 2 : i32
        %add3A_309 = arith.addi %add3A_177, %add3A_308 : i32
        %ge3A = arith.constant 4 : i32
        %ge3A_310 = arith.cmpi sge, %add3A_309, %ge3A : i32
        %convert_element_type3A_311 = arith.extui %ge3A_310 : i1 to i32
        %cond3A_312 = arith.constant 0 : i32
        %cond3A_313 = arith.cmpi ne, %convert_element_type3A_311, %cond3A_312 : i32
        scf.if %cond3A_313 {
          %add3A_330 = arith.constant 0 : i32
          %add3A_331 = arith.addi %mul3A_2, %add3A_330 : i32
          %dma_wait3A_332 = arith.constant 3 : i32
          %dma_wait3A_333 = arith.constant 3 : i32
          %dma_wait3A_334 = arith.constant 0 : i32
          %dma_wait3A_335 = arith.constant 0 : i32
          %dma_wait3A_336 = tpu.memref_slice %arg7[%dma_wait3A_332, %dma_wait3A_334, %dma_wait3A_335] : memref<4x200x64xf32, #tpu.memory_space<vmem>> -> memref<1x200x64xf32, #tpu.memory_space<vmem>>
          %dma_wait3A_337 = tpu.memref_squeeze %dma_wait3A_336 : memref<1x200x64xf32, #tpu.memory_space<vmem>> -> memref<200x64xf32, #tpu.memory_space<vmem>>
          %dma_wait3A_338 = arith.constant 0 : i32
          %dma_wait3A_339 = arith.constant 0 : i32
          %dma_wait3A_340 = tpu.memref_slice %arg4[%add3A_331, %dma_wait3A_338, %dma_wait3A_339] : memref<4096x200x64xf32, #tpu.memory_space<hbm>> -> memref<1x200x64xf32, #tpu.memory_space<hbm>>
          %dma_wait3A_341 = tpu.memref_squeeze %dma_wait3A_340 : memref<1x200x64xf32, #tpu.memory_space<hbm>> -> memref<200x64xf32, #tpu.memory_space<hbm>>
          %dma_wait3A_342 = tpu.memref_slice %arg9[%dma_wait3A_333] : memref<4x!tpu.dma_semaphore, #tpu.memory_space<semaphore_mem>> -> memref<1x!tpu.dma_semaphore, #tpu.memory_space<semaphore_mem>>
          %dma_wait3A_343 = tpu.memref_squeeze %dma_wait3A_342 : memref<1x!tpu.dma_semaphore, #tpu.memory_space<semaphore_mem>> -> memref<!tpu.dma_semaphore, #tpu.memory_space<semaphore_mem>>
          %dma_wait3A_344 = arith.constant 0 : i32
          %dma_wait3A_345 = arith.constant 0 : i32
          %dma_wait3A_346 = tpu.memref_slice %arg4[%add3A_331, %dma_wait3A_344, %dma_wait3A_345] : memref<4096x200x64xf32, #tpu.memory_space<hbm>> -> memref<1x200x64xf32, #tpu.memory_space<hbm>>
          %dma_wait3A_347 = tpu.memref_squeeze %dma_wait3A_346 : memref<1x200x64xf32, #tpu.memory_space<hbm>> -> memref<200x64xf32, #tpu.memory_space<hbm>>
          %dma_wait3A_348 = arith.constant 0 : i32
          %dma_wait3A_349 = arith.constant 0 : i32
          %dma_wait3A_350 = tpu.memref_slice %arg7[%dma_wait3A_332, %dma_wait3A_348, %dma_wait3A_349] : memref<4x200x64xf32, #tpu.memory_space<vmem>> -> memref<1x200x64xf32, #tpu.memory_space<vmem>>
          %dma_wait3A_351 = tpu.memref_squeeze %dma_wait3A_350 : memref<1x200x64xf32, #tpu.memory_space<vmem>> -> memref<200x64xf32, #tpu.memory_space<vmem>>
          tpu.wait_dma2 semaphore(%dma_wait3A_343 : memref<!tpu.dma_semaphore, #tpu.memory_space<semaphore_mem>>) src(%dma_wait3A_351 : memref<200x64xf32, #tpu.memory_space<vmem>>) dst(%dma_wait3A_347 : memref<200x64xf32, #tpu.memory_space<hbm>>)
        } else {
        }
        %add3A_314 = arith.constant 2 : i32
        %add3A_315 = arith.addi %add3A_177, %add3A_314 : i32
        %dma_start3A_316 = arith.constant 3 : i32
        %dma_start3A_317 = arith.constant 3 : i32
        %dma_start3A_318 = arith.constant 0 : i32
        %dma_start3A_319 = arith.constant 0 : i32
        %dma_start3A_320 = tpu.memref_slice %arg7[%dma_start3A_316, %dma_start3A_318, %dma_start3A_319] : memref<4x200x64xf32, #tpu.memory_space<vmem>> -> memref<1x200x64xf32, #tpu.memory_space<vmem>>
        %dma_start3A_321 = tpu.memref_squeeze %dma_start3A_320 : memref<1x200x64xf32, #tpu.memory_space<vmem>> -> memref<200x64xf32, #tpu.memory_space<vmem>>
        %dma_start3A_322 = arith.constant 0 : i32
        %dma_start3A_323 = tpu.memref_slice %arg6[%add3A_315, %dma_start3A_322] : memref<128x200xi32, #tpu.memory_space<vmem>> -> memref<1x200xi32, #tpu.memory_space<vmem>>
        %dma_start3A_324 = tpu.memref_squeeze %dma_start3A_323 : memref<1x200xi32, #tpu.memory_space<vmem>> -> memref<200xi32, #tpu.memory_space<vmem>>
        %dma_start3A_325 = arith.constant 0 : i32
        %dma_start3A_326 = arith.constant 0 : i32
        %dma_start3A_327 = tpu.memref_slice %arg3[%dma_start3A_325, %dma_start3A_326] : memref<1000448x64xf32, #tpu.memory_space<hbm>> -> memref<1000448x64xf32, #tpu.memory_space<hbm>>
        %dma_start3A_328 = tpu.memref_slice %arg8[%dma_start3A_317] : memref<4x!tpu.dma_semaphore, #tpu.memory_space<semaphore_mem>> -> memref<1x!tpu.dma_semaphore, #tpu.memory_space<semaphore_mem>>
        %dma_start3A_329 = tpu.memref_squeeze %dma_start3A_328 : memref<1x!tpu.dma_semaphore, #tpu.memory_space<semaphore_mem>> -> memref<!tpu.dma_semaphore, #tpu.memory_space<semaphore_mem>>
        tpu.enqueue_indirect_dma source(%dma_start3A_327 : memref<1000448x64xf32, #tpu.memory_space<hbm>>) target(%dma_start3A_321 : memref<200x64xf32, #tpu.memory_space<vmem>>) offsets(%dma_start3A_324 : memref<200xi32, #tpu.memory_space<vmem>>) semaphore(%dma_start3A_329 : memref<!tpu.dma_semaphore, #tpu.memory_space<semaphore_mem>>)
      } else {
      }
      %add3A_199 = arith.addi %mul3A_2, %add3A_177 : i32
      %dma_start3A_200 = arith.constant 1 : i32
      %dma_start3A_201 = arith.constant 1 : i32
      %dma_start3A_202 = arith.constant 0 : i32
      %dma_start3A_203 = arith.constant 0 : i32
      %dma_start3A_204 = tpu.memref_slice %arg7[%dma_start3A_200, %dma_start3A_202, %dma_start3A_203] : memref<4x200x64xf32, #tpu.memory_space<vmem>> -> memref<1x200x64xf32, #tpu.memory_space<vmem>>
      %dma_start3A_205 = tpu.memref_squeeze %dma_start3A_204 : memref<1x200x64xf32, #tpu.memory_space<vmem>> -> memref<200x64xf32, #tpu.memory_space<vmem>>
      %dma_start3A_206 = arith.constant 0 : i32
      %dma_start3A_207 = arith.constant 0 : i32
      %dma_start3A_208 = tpu.memref_slice %arg4[%add3A_199, %dma_start3A_206, %dma_start3A_207] : memref<4096x200x64xf32, #tpu.memory_space<hbm>> -> memref<1x200x64xf32, #tpu.memory_space<hbm>>
      %dma_start3A_209 = tpu.memref_squeeze %dma_start3A_208 : memref<1x200x64xf32, #tpu.memory_space<hbm>> -> memref<200x64xf32, #tpu.memory_space<hbm>>
      %dma_start3A_210 = tpu.memref_slice %arg9[%dma_start3A_201] : memref<4x!tpu.dma_semaphore, #tpu.memory_space<semaphore_mem>> -> memref<1x!tpu.dma_semaphore, #tpu.memory_space<semaphore_mem>>
      %dma_start3A_211 = tpu.memref_squeeze %dma_start3A_210 : memref<1x!tpu.dma_semaphore, #tpu.memory_space<semaphore_mem>> -> memref<!tpu.dma_semaphore, #tpu.memory_space<semaphore_mem>>
      %dma_start3A_212 = arith.constant 0 : i32
      %dma_start3A_213 = arith.constant 0 : i32
      %dma_start3A_214 = tpu.memref_slice %arg4[%add3A_199, %dma_start3A_212, %dma_start3A_213] : memref<4096x200x64xf32, #tpu.memory_space<hbm>> -> memref<1x200x64xf32, #tpu.memory_space<hbm>>
      %dma_start3A_215 = tpu.memref_squeeze %dma_start3A_214 : memref<1x200x64xf32, #tpu.memory_space<hbm>> -> memref<200x64xf32, #tpu.memory_space<hbm>>
      %dma_start3A_216 = arith.constant 0 : i32
      %dma_start3A_217 = arith.constant 0 : i32
      %dma_start3A_218 = tpu.memref_slice %arg7[%dma_start3A_200, %dma_start3A_216, %dma_start3A_217] : memref<4x200x64xf32, #tpu.memory_space<vmem>> -> memref<1x200x64xf32, #tpu.memory_space<vmem>>
      %dma_start3A_219 = tpu.memref_squeeze %dma_start3A_218 : memref<1x200x64xf32, #tpu.memory_space<vmem>> -> memref<200x64xf32, #tpu.memory_space<vmem>>
      tpu.enqueue_dma source(%dma_start3A_219 : memref<200x64xf32, #tpu.memory_space<vmem>>) target(%dma_start3A_215 : memref<200x64xf32, #tpu.memory_space<hbm>>) target_semaphore(%dma_start3A_211 : memref<!tpu.dma_semaphore, #tpu.memory_space<semaphore_mem>>)
      %add3A_220 = arith.constant 2 : i32
      %add3A_221 = arith.addi %mul3A_134, %add3A_220 : i32
      %dma_wait3A_222 = arith.constant 2 : i32
      %dma_wait3A_223 = arith.constant 2 : i32
      %dma_wait3A_224 = arith.constant 0 : i32
      %dma_wait3A_225 = arith.constant 0 : i32
      %dma_wait3A_226 = tpu.memref_slice %arg7[%dma_wait3A_222, %dma_wait3A_224, %dma_wait3A_225] : memref<4x200x64xf32, #tpu.memory_space<vmem>> -> memref<1x200x64xf32, #tpu.memory_space<vmem>>
      %dma_wait3A_227 = tpu.memref_squeeze %dma_wait3A_226 : memref<1x200x64xf32, #tpu.memory_space<vmem>> -> memref<200x64xf32, #tpu.memory_space<vmem>>
      %dma_wait3A_228 = arith.constant 0 : i32
      %dma_wait3A_229 = tpu.memref_slice %arg6[%add3A_221, %dma_wait3A_228] : memref<128x200xi32, #tpu.memory_space<vmem>> -> memref<1x200xi32, #tpu.memory_space<vmem>>
      %dma_wait3A_230 = tpu.memref_squeeze %dma_wait3A_229 : memref<1x200xi32, #tpu.memory_space<vmem>> -> memref<200xi32, #tpu.memory_space<vmem>>
      %dma_wait3A_231 = arith.constant 0 : i32
      %dma_wait3A_232 = arith.constant 0 : i32
      %dma_wait3A_233 = tpu.memref_slice %arg3[%dma_wait3A_231, %dma_wait3A_232] : memref<1000448x64xf32, #tpu.memory_space<hbm>> -> memref<1000448x64xf32, #tpu.memory_space<hbm>>
      %dma_wait3A_234 = tpu.memref_slice %arg8[%dma_wait3A_223] : memref<4x!tpu.dma_semaphore, #tpu.memory_space<semaphore_mem>> -> memref<1x!tpu.dma_semaphore, #tpu.memory_space<semaphore_mem>>
      %dma_wait3A_235 = tpu.memref_squeeze %dma_wait3A_234 : memref<1x!tpu.dma_semaphore, #tpu.memory_space<semaphore_mem>> -> memref<!tpu.dma_semaphore, #tpu.memory_space<semaphore_mem>>
      tpu.wait_indirect_dma semaphore(%dma_wait3A_235 : memref<!tpu.dma_semaphore, #tpu.memory_space<semaphore_mem>>) src(%dma_wait3A_233 : memref<1000448x64xf32, #tpu.memory_space<hbm>>) dst(%dma_wait3A_227 : memref<200x64xf32, #tpu.memory_space<vmem>>)
      %add3A_236 = arith.constant 2 : i32
      %add3A_237 = arith.addi %add3A_221, %add3A_236 : i32
      %lt3A_238 = arith.constant 128 : i32
      %lt3A_239 = arith.cmpi slt, %add3A_237, %lt3A_238 : i32
      %convert_element_type3A_240 = arith.extui %lt3A_239 : i1 to i32
      %cond3A_241 = arith.constant 0 : i32
      %cond3A_242 = arith.cmpi ne, %convert_element_type3A_240, %cond3A_241 : i32
      scf.if %cond3A_242 {
        %add3A_308 = arith.constant 2 : i32
        %add3A_309 = arith.addi %add3A_221, %add3A_308 : i32
        %ge3A = arith.constant 4 : i32
        %ge3A_310 = arith.cmpi sge, %add3A_309, %ge3A : i32
        %convert_element_type3A_311 = arith.extui %ge3A_310 : i1 to i32
        %cond3A_312 = arith.constant 0 : i32
        %cond3A_313 = arith.cmpi ne, %convert_element_type3A_311, %cond3A_312 : i32
        scf.if %cond3A_313 {
          %add3A_330 = arith.constant 0 : i32
          %add3A_331 = arith.addi %mul3A_2, %add3A_330 : i32
          %dma_wait3A_332 = arith.constant 0 : i32
          %dma_wait3A_333 = arith.constant 0 : i32
          %dma_wait3A_334 = arith.constant 0 : i32
          %dma_wait3A_335 = arith.constant 0 : i32
          %dma_wait3A_336 = tpu.memref_slice %arg7[%dma_wait3A_332, %dma_wait3A_334, %dma_wait3A_335] : memref<4x200x64xf32, #tpu.memory_space<vmem>> -> memref<1x200x64xf32, #tpu.memory_space<vmem>>
          %dma_wait3A_337 = tpu.memref_squeeze %dma_wait3A_336 : memref<1x200x64xf32, #tpu.memory_space<vmem>> -> memref<200x64xf32, #tpu.memory_space<vmem>>
          %dma_wait3A_338 = arith.constant 0 : i32
          %dma_wait3A_339 = arith.constant 0 : i32
          %dma_wait3A_340 = tpu.memref_slice %arg4[%add3A_331, %dma_wait3A_338, %dma_wait3A_339] : memref<4096x200x64xf32, #tpu.memory_space<hbm>> -> memref<1x200x64xf32, #tpu.memory_space<hbm>>
          %dma_wait3A_341 = tpu.memref_squeeze %dma_wait3A_340 : memref<1x200x64xf32, #tpu.memory_space<hbm>> -> memref<200x64xf32, #tpu.memory_space<hbm>>
          %dma_wait3A_342 = tpu.memref_slice %arg9[%dma_wait3A_333] : memref<4x!tpu.dma_semaphore, #tpu.memory_space<semaphore_mem>> -> memref<1x!tpu.dma_semaphore, #tpu.memory_space<semaphore_mem>>
          %dma_wait3A_343 = tpu.memref_squeeze %dma_wait3A_342 : memref<1x!tpu.dma_semaphore, #tpu.memory_space<semaphore_mem>> -> memref<!tpu.dma_semaphore, #tpu.memory_space<semaphore_mem>>
          %dma_wait3A_344 = arith.constant 0 : i32
          %dma_wait3A_345 = arith.constant 0 : i32
          %dma_wait3A_346 = tpu.memref_slice %arg4[%add3A_331, %dma_wait3A_344, %dma_wait3A_345] : memref<4096x200x64xf32, #tpu.memory_space<hbm>> -> memref<1x200x64xf32, #tpu.memory_space<hbm>>
          %dma_wait3A_347 = tpu.memref_squeeze %dma_wait3A_346 : memref<1x200x64xf32, #tpu.memory_space<hbm>> -> memref<200x64xf32, #tpu.memory_space<hbm>>
          %dma_wait3A_348 = arith.constant 0 : i32
          %dma_wait3A_349 = arith.constant 0 : i32
          %dma_wait3A_350 = tpu.memref_slice %arg7[%dma_wait3A_332, %dma_wait3A_348, %dma_wait3A_349] : memref<4x200x64xf32, #tpu.memory_space<vmem>> -> memref<1x200x64xf32, #tpu.memory_space<vmem>>
          %dma_wait3A_351 = tpu.memref_squeeze %dma_wait3A_350 : memref<1x200x64xf32, #tpu.memory_space<vmem>> -> memref<200x64xf32, #tpu.memory_space<vmem>>
          tpu.wait_dma2 semaphore(%dma_wait3A_343 : memref<!tpu.dma_semaphore, #tpu.memory_space<semaphore_mem>>) src(%dma_wait3A_351 : memref<200x64xf32, #tpu.memory_space<vmem>>) dst(%dma_wait3A_347 : memref<200x64xf32, #tpu.memory_space<hbm>>)
        } else {
        }
        %add3A_314 = arith.constant 2 : i32
        %add3A_315 = arith.addi %add3A_221, %add3A_314 : i32
        %dma_start3A_316 = arith.constant 0 : i32
        %dma_start3A_317 = arith.constant 0 : i32
        %dma_start3A_318 = arith.constant 0 : i32
        %dma_start3A_319 = arith.constant 0 : i32
        %dma_start3A_320 = tpu.memref_slice %arg7[%dma_start3A_316, %dma_start3A_318, %dma_start3A_319] : memref<4x200x64xf32, #tpu.memory_space<vmem>> -> memref<1x200x64xf32, #tpu.memory_space<vmem>>
        %dma_start3A_321 = tpu.memref_squeeze %dma_start3A_320 : memref<1x200x64xf32, #tpu.memory_space<vmem>> -> memref<200x64xf32, #tpu.memory_space<vmem>>
        %dma_start3A_322 = arith.constant 0 : i32
        %dma_start3A_323 = tpu.memref_slice %arg6[%add3A_315, %dma_start3A_322] : memref<128x200xi32, #tpu.memory_space<vmem>> -> memref<1x200xi32, #tpu.memory_space<vmem>>
        %dma_start3A_324 = tpu.memref_squeeze %dma_start3A_323 : memref<1x200xi32, #tpu.memory_space<vmem>> -> memref<200xi32, #tpu.memory_space<vmem>>
        %dma_start3A_325 = arith.constant 0 : i32
        %dma_start3A_326 = arith.constant 0 : i32
        %dma_start3A_327 = tpu.memref_slice %arg3[%dma_start3A_325, %dma_start3A_326] : memref<1000448x64xf32, #tpu.memory_space<hbm>> -> memref<1000448x64xf32, #tpu.memory_space<hbm>>
        %dma_start3A_328 = tpu.memref_slice %arg8[%dma_start3A_317] : memref<4x!tpu.dma_semaphore, #tpu.memory_space<semaphore_mem>> -> memref<1x!tpu.dma_semaphore, #tpu.memory_space<semaphore_mem>>
        %dma_start3A_329 = tpu.memref_squeeze %dma_start3A_328 : memref<1x!tpu.dma_semaphore, #tpu.memory_space<semaphore_mem>> -> memref<!tpu.dma_semaphore, #tpu.memory_space<semaphore_mem>>
        tpu.enqueue_indirect_dma source(%dma_start3A_327 : memref<1000448x64xf32, #tpu.memory_space<hbm>>) target(%dma_start3A_321 : memref<200x64xf32, #tpu.memory_space<vmem>>) offsets(%dma_start3A_324 : memref<200xi32, #tpu.memory_space<vmem>>) semaphore(%dma_start3A_329 : memref<!tpu.dma_semaphore, #tpu.memory_space<semaphore_mem>>)
      } else {
      }
      %add3A_243 = arith.addi %mul3A_2, %add3A_221 : i32
      %dma_start3A_244 = arith.constant 2 : i32
      %dma_start3A_245 = arith.constant 2 : i32
      %dma_start3A_246 = arith.constant 0 : i32
      %dma_start3A_247 = arith.constant 0 : i32
      %dma_start3A_248 = tpu.memref_slice %arg7[%dma_start3A_244, %dma_start3A_246, %dma_start3A_247] : memref<4x200x64xf32, #tpu.memory_space<vmem>> -> memref<1x200x64xf32, #tpu.memory_space<vmem>>
      %dma_start3A_249 = tpu.memref_squeeze %dma_start3A_248 : memref<1x200x64xf32, #tpu.memory_space<vmem>> -> memref<200x64xf32, #tpu.memory_space<vmem>>
      %dma_start3A_250 = arith.constant 0 : i32
      %dma_start3A_251 = arith.constant 0 : i32
      %dma_start3A_252 = tpu.memref_slice %arg4[%add3A_243, %dma_start3A_250, %dma_start3A_251] : memref<4096x200x64xf32, #tpu.memory_space<hbm>> -> memref<1x200x64xf32, #tpu.memory_space<hbm>>
      %dma_start3A_253 = tpu.memref_squeeze %dma_start3A_252 : memref<1x200x64xf32, #tpu.memory_space<hbm>> -> memref<200x64xf32, #tpu.memory_space<hbm>>
      %dma_start3A_254 = tpu.memref_slice %arg9[%dma_start3A_245] : memref<4x!tpu.dma_semaphore, #tpu.memory_space<semaphore_mem>> -> memref<1x!tpu.dma_semaphore, #tpu.memory_space<semaphore_mem>>
      %dma_start3A_255 = tpu.memref_squeeze %dma_start3A_254 : memref<1x!tpu.dma_semaphore, #tpu.memory_space<semaphore_mem>> -> memref<!tpu.dma_semaphore, #tpu.memory_space<semaphore_mem>>
      %dma_start3A_256 = arith.constant 0 : i32
      %dma_start3A_257 = arith.constant 0 : i32
      %dma_start3A_258 = tpu.memref_slice %arg4[%add3A_243, %dma_start3A_256, %dma_start3A_257] : memref<4096x200x64xf32, #tpu.memory_space<hbm>> -> memref<1x200x64xf32, #tpu.memory_space<hbm>>
      %dma_start3A_259 = tpu.memref_squeeze %dma_start3A_258 : memref<1x200x64xf32, #tpu.memory_space<hbm>> -> memref<200x64xf32, #tpu.memory_space<hbm>>
      %dma_start3A_260 = arith.constant 0 : i32
      %dma_start3A_261 = arith.constant 0 : i32
      %dma_start3A_262 = tpu.memref_slice %arg7[%dma_start3A_244, %dma_start3A_260, %dma_start3A_261] : memref<4x200x64xf32, #tpu.memory_space<vmem>> -> memref<1x200x64xf32, #tpu.memory_space<vmem>>
      %dma_start3A_263 = tpu.memref_squeeze %dma_start3A_262 : memref<1x200x64xf32, #tpu.memory_space<vmem>> -> memref<200x64xf32, #tpu.memory_space<vmem>>
      tpu.enqueue_dma source(%dma_start3A_263 : memref<200x64xf32, #tpu.memory_space<vmem>>) target(%dma_start3A_259 : memref<200x64xf32, #tpu.memory_space<hbm>>) target_semaphore(%dma_start3A_255 : memref<!tpu.dma_semaphore, #tpu.memory_space<semaphore_mem>>)
      %add3A_264 = arith.constant 3 : i32
      %add3A_265 = arith.addi %mul3A_134, %add3A_264 : i32
      %dma_wait3A_266 = arith.constant 3 : i32
      %dma_wait3A_267 = arith.constant 3 : i32
      %dma_wait3A_268 = arith.constant 0 : i32
      %dma_wait3A_269 = arith.constant 0 : i32
      %dma_wait3A_270 = tpu.memref_slice %arg7[%dma_wait3A_266, %dma_wait3A_268, %dma_wait3A_269] : memref<4x200x64xf32, #tpu.memory_space<vmem>> -> memref<1x200x64xf32, #tpu.memory_space<vmem>>
      %dma_wait3A_271 = tpu.memref_squeeze %dma_wait3A_270 : memref<1x200x64xf32, #tpu.memory_space<vmem>> -> memref<200x64xf32, #tpu.memory_space<vmem>>
      %dma_wait3A_272 = arith.constant 0 : i32
      %dma_wait3A_273 = tpu.memref_slice %arg6[%add3A_265, %dma_wait3A_272] : memref<128x200xi32, #tpu.memory_space<vmem>> -> memref<1x200xi32, #tpu.memory_space<vmem>>
      %dma_wait3A_274 = tpu.memref_squeeze %dma_wait3A_273 : memref<1x200xi32, #tpu.memory_space<vmem>> -> memref<200xi32, #tpu.memory_space<vmem>>
      %dma_wait3A_275 = arith.constant 0 : i32
      %dma_wait3A_276 = arith.constant 0 : i32
      %dma_wait3A_277 = tpu.memref_slice %arg3[%dma_wait3A_275, %dma_wait3A_276] : memref<1000448x64xf32, #tpu.memory_space<hbm>> -> memref<1000448x64xf32, #tpu.memory_space<hbm>>
      %dma_wait3A_278 = tpu.memref_slice %arg8[%dma_wait3A_267] : memref<4x!tpu.dma_semaphore, #tpu.memory_space<semaphore_mem>> -> memref<1x!tpu.dma_semaphore, #tpu.memory_space<semaphore_mem>>
      %dma_wait3A_279 = tpu.memref_squeeze %dma_wait3A_278 : memref<1x!tpu.dma_semaphore, #tpu.memory_space<semaphore_mem>> -> memref<!tpu.dma_semaphore, #tpu.memory_space<semaphore_mem>>
      tpu.wait_indirect_dma semaphore(%dma_wait3A_279 : memref<!tpu.dma_semaphore, #tpu.memory_space<semaphore_mem>>) src(%dma_wait3A_277 : memref<1000448x64xf32, #tpu.memory_space<hbm>>) dst(%dma_wait3A_271 : memref<200x64xf32, #tpu.memory_space<vmem>>)
      %add3A_280 = arith.constant 2 : i32
      %add3A_281 = arith.addi %add3A_265, %add3A_280 : i32
      %lt3A_282 = arith.constant 128 : i32
      %lt3A_283 = arith.cmpi slt, %add3A_281, %lt3A_282 : i32
      %convert_element_type3A_284 = arith.extui %lt3A_283 : i1 to i32
      %cond3A_285 = arith.constant 0 : i32
      %cond3A_286 = arith.cmpi ne, %convert_element_type3A_284, %cond3A_285 : i32
      scf.if %cond3A_286 {
        %add3A_308 = arith.constant 2 : i32
        %add3A_309 = arith.addi %add3A_265, %add3A_308 : i32
        %ge3A = arith.constant 4 : i32
        %ge3A_310 = arith.cmpi sge, %add3A_309, %ge3A : i32
        %convert_element_type3A_311 = arith.extui %ge3A_310 : i1 to i32
        %cond3A_312 = arith.constant 0 : i32
        %cond3A_313 = arith.cmpi ne, %convert_element_type3A_311, %cond3A_312 : i32
        scf.if %cond3A_313 {
          %add3A_330 = arith.constant 0 : i32
          %add3A_331 = arith.addi %mul3A_2, %add3A_330 : i32
          %dma_wait3A_332 = arith.constant 1 : i32
          %dma_wait3A_333 = arith.constant 1 : i32
          %dma_wait3A_334 = arith.constant 0 : i32
          %dma_wait3A_335 = arith.constant 0 : i32
          %dma_wait3A_336 = tpu.memref_slice %arg7[%dma_wait3A_332, %dma_wait3A_334, %dma_wait3A_335] : memref<4x200x64xf32, #tpu.memory_space<vmem>> -> memref<1x200x64xf32, #tpu.memory_space<vmem>>
          %dma_wait3A_337 = tpu.memref_squeeze %dma_wait3A_336 : memref<1x200x64xf32, #tpu.memory_space<vmem>> -> memref<200x64xf32, #tpu.memory_space<vmem>>
          %dma_wait3A_338 = arith.constant 0 : i32
          %dma_wait3A_339 = arith.constant 0 : i32
          %dma_wait3A_340 = tpu.memref_slice %arg4[%add3A_331, %dma_wait3A_338, %dma_wait3A_339] : memref<4096x200x64xf32, #tpu.memory_space<hbm>> -> memref<1x200x64xf32, #tpu.memory_space<hbm>>
          %dma_wait3A_341 = tpu.memref_squeeze %dma_wait3A_340 : memref<1x200x64xf32, #tpu.memory_space<hbm>> -> memref<200x64xf32, #tpu.memory_space<hbm>>
          %dma_wait3A_342 = tpu.memref_slice %arg9[%dma_wait3A_333] : memref<4x!tpu.dma_semaphore, #tpu.memory_space<semaphore_mem>> -> memref<1x!tpu.dma_semaphore, #tpu.memory_space<semaphore_mem>>
          %dma_wait3A_343 = tpu.memref_squeeze %dma_wait3A_342 : memref<1x!tpu.dma_semaphore, #tpu.memory_space<semaphore_mem>> -> memref<!tpu.dma_semaphore, #tpu.memory_space<semaphore_mem>>
          %dma_wait3A_344 = arith.constant 0 : i32
          %dma_wait3A_345 = arith.constant 0 : i32
          %dma_wait3A_346 = tpu.memref_slice %arg4[%add3A_331, %dma_wait3A_344, %dma_wait3A_345] : memref<4096x200x64xf32, #tpu.memory_space<hbm>> -> memref<1x200x64xf32, #tpu.memory_space<hbm>>
          %dma_wait3A_347 = tpu.memref_squeeze %dma_wait3A_346 : memref<1x200x64xf32, #tpu.memory_space<hbm>> -> memref<200x64xf32, #tpu.memory_space<hbm>>
          %dma_wait3A_348 = arith.constant 0 : i32
          %dma_wait3A_349 = arith.constant 0 : i32
          %dma_wait3A_350 = tpu.memref_slice %arg7[%dma_wait3A_332, %dma_wait3A_348, %dma_wait3A_349] : memref<4x200x64xf32, #tpu.memory_space<vmem>> -> memref<1x200x64xf32, #tpu.memory_space<vmem>>
          %dma_wait3A_351 = tpu.memref_squeeze %dma_wait3A_350 : memref<1x200x64xf32, #tpu.memory_space<vmem>> -> memref<200x64xf32, #tpu.memory_space<vmem>>
          tpu.wait_dma2 semaphore(%dma_wait3A_343 : memref<!tpu.dma_semaphore, #tpu.memory_space<semaphore_mem>>) src(%dma_wait3A_351 : memref<200x64xf32, #tpu.memory_space<vmem>>) dst(%dma_wait3A_347 : memref<200x64xf32, #tpu.memory_space<hbm>>)
        } else {
        }
        %add3A_314 = arith.constant 2 : i32
        %add3A_315 = arith.addi %add3A_265, %add3A_314 : i32
        %dma_start3A_316 = arith.constant 1 : i32
        %dma_start3A_317 = arith.constant 1 : i32
        %dma_start3A_318 = arith.constant 0 : i32
        %dma_start3A_319 = arith.constant 0 : i32
        %dma_start3A_320 = tpu.memref_slice %arg7[%dma_start3A_316, %dma_start3A_318, %dma_start3A_319] : memref<4x200x64xf32, #tpu.memory_space<vmem>> -> memref<1x200x64xf32, #tpu.memory_space<vmem>>
        %dma_start3A_321 = tpu.memref_squeeze %dma_start3A_320 : memref<1x200x64xf32, #tpu.memory_space<vmem>> -> memref<200x64xf32, #tpu.memory_space<vmem>>
        %dma_start3A_322 = arith.constant 0 : i32
        %dma_start3A_323 = tpu.memref_slice %arg6[%add3A_315, %dma_start3A_322] : memref<128x200xi32, #tpu.memory_space<vmem>> -> memref<1x200xi32, #tpu.memory_space<vmem>>
        %dma_start3A_324 = tpu.memref_squeeze %dma_start3A_323 : memref<1x200xi32, #tpu.memory_space<vmem>> -> memref<200xi32, #tpu.memory_space<vmem>>
        %dma_start3A_325 = arith.constant 0 : i32
        %dma_start3A_326 = arith.constant 0 : i32
        %dma_start3A_327 = tpu.memref_slice %arg3[%dma_start3A_325, %dma_start3A_326] : memref<1000448x64xf32, #tpu.memory_space<hbm>> -> memref<1000448x64xf32, #tpu.memory_space<hbm>>
        %dma_start3A_328 = tpu.memref_slice %arg8[%dma_start3A_317] : memref<4x!tpu.dma_semaphore, #tpu.memory_space<semaphore_mem>> -> memref<1x!tpu.dma_semaphore, #tpu.memory_space<semaphore_mem>>
        %dma_start3A_329 = tpu.memref_squeeze %dma_start3A_328 : memref<1x!tpu.dma_semaphore, #tpu.memory_space<semaphore_mem>> -> memref<!tpu.dma_semaphore, #tpu.memory_space<semaphore_mem>>
        tpu.enqueue_indirect_dma source(%dma_start3A_327 : memref<1000448x64xf32, #tpu.memory_space<hbm>>) target(%dma_start3A_321 : memref<200x64xf32, #tpu.memory_space<vmem>>) offsets(%dma_start3A_324 : memref<200xi32, #tpu.memory_space<vmem>>) semaphore(%dma_start3A_329 : memref<!tpu.dma_semaphore, #tpu.memory_space<semaphore_mem>>)
      } else {
      }
      %add3A_287 = arith.addi %mul3A_2, %add3A_265 : i32
      %dma_start3A_288 = arith.constant 3 : i32
      %dma_start3A_289 = arith.constant 3 : i32
      %dma_start3A_290 = arith.constant 0 : i32
      %dma_start3A_291 = arith.constant 0 : i32
      %dma_start3A_292 = tpu.memref_slice %arg7[%dma_start3A_288, %dma_start3A_290, %dma_start3A_291] : memref<4x200x64xf32, #tpu.memory_space<vmem>> -> memref<1x200x64xf32, #tpu.memory_space<vmem>>
      %dma_start3A_293 = tpu.memref_squeeze %dma_start3A_292 : memref<1x200x64xf32, #tpu.memory_space<vmem>> -> memref<200x64xf32, #tpu.memory_space<vmem>>
      %dma_start3A_294 = arith.constant 0 : i32
      %dma_start3A_295 = arith.constant 0 : i32
      %dma_start3A_296 = tpu.memref_slice %arg4[%add3A_287, %dma_start3A_294, %dma_start3A_295] : memref<4096x200x64xf32, #tpu.memory_space<hbm>> -> memref<1x200x64xf32, #tpu.memory_space<hbm>>
      %dma_start3A_297 = tpu.memref_squeeze %dma_start3A_296 : memref<1x200x64xf32, #tpu.memory_space<hbm>> -> memref<200x64xf32, #tpu.memory_space<hbm>>
      %dma_start3A_298 = tpu.memref_slice %arg9[%dma_start3A_289] : memref<4x!tpu.dma_semaphore, #tpu.memory_space<semaphore_mem>> -> memref<1x!tpu.dma_semaphore, #tpu.memory_space<semaphore_mem>>
      %dma_start3A_299 = tpu.memref_squeeze %dma_start3A_298 : memref<1x!tpu.dma_semaphore, #tpu.memory_space<semaphore_mem>> -> memref<!tpu.dma_semaphore, #tpu.memory_space<semaphore_mem>>
      %dma_start3A_300 = arith.constant 0 : i32
      %dma_start3A_301 = arith.constant 0 : i32
      %dma_start3A_302 = tpu.memref_slice %arg4[%add3A_287, %dma_start3A_300, %dma_start3A_301] : memref<4096x200x64xf32, #tpu.memory_space<hbm>> -> memref<1x200x64xf32, #tpu.memory_space<hbm>>
      %dma_start3A_303 = tpu.memref_squeeze %dma_start3A_302 : memref<1x200x64xf32, #tpu.memory_space<hbm>> -> memref<200x64xf32, #tpu.memory_space<hbm>>
      %dma_start3A_304 = arith.constant 0 : i32
      %dma_start3A_305 = arith.constant 0 : i32
      %dma_start3A_306 = tpu.memref_slice %arg7[%dma_start3A_288, %dma_start3A_304, %dma_start3A_305] : memref<4x200x64xf32, #tpu.memory_space<vmem>> -> memref<1x200x64xf32, #tpu.memory_space<vmem>>
      %dma_start3A_307 = tpu.memref_squeeze %dma_start3A_306 : memref<1x200x64xf32, #tpu.memory_space<vmem>> -> memref<200x64xf32, #tpu.memory_space<vmem>>
      tpu.enqueue_dma source(%dma_start3A_307 : memref<200x64xf32, #tpu.memory_space<vmem>>) target(%dma_start3A_303 : memref<200x64xf32, #tpu.memory_space<hbm>>) target_semaphore(%dma_start3A_299 : memref<!tpu.dma_semaphore, #tpu.memory_space<semaphore_mem>>)
    }
    %scan3A_40 = arith.constant 32 : i32
    %add3A_41 = arith.constant 0 : i32
    %add3A_42 = arith.addi %mul3A_2, %add3A_41 : i32
    %dma_wait3A = arith.constant 0 : i32
    %dma_wait3A_43 = arith.constant 0 : i32
    %dma_wait3A_44 = arith.constant 0 : i32
    %dma_wait3A_45 = arith.constant 0 : i32
    %dma_wait3A_46 = tpu.memref_slice %arg7[%dma_wait3A, %dma_wait3A_44, %dma_wait3A_45] : memref<4x200x64xf32, #tpu.memory_space<vmem>> -> memref<1x200x64xf32, #tpu.memory_space<vmem>>
    %dma_wait3A_47 = tpu.memref_squeeze %dma_wait3A_46 : memref<1x200x64xf32, #tpu.memory_space<vmem>> -> memref<200x64xf32, #tpu.memory_space<vmem>>
    %dma_wait3A_48 = arith.constant 0 : i32
    %dma_wait3A_49 = arith.constant 0 : i32
    %dma_wait3A_50 = tpu.memref_slice %arg4[%add3A_42, %dma_wait3A_48, %dma_wait3A_49] : memref<4096x200x64xf32, #tpu.memory_space<hbm>> -> memref<1x200x64xf32, #tpu.memory_space<hbm>>
    %dma_wait3A_51 = tpu.memref_squeeze %dma_wait3A_50 : memref<1x200x64xf32, #tpu.memory_space<hbm>> -> memref<200x64xf32, #tpu.memory_space<hbm>>
    %dma_wait3A_52 = tpu.memref_slice %arg9[%dma_wait3A_43] : memref<4x!tpu.dma_semaphore, #tpu.memory_space<semaphore_mem>> -> memref<1x!tpu.dma_semaphore, #tpu.memory_space<semaphore_mem>>
    %dma_wait3A_53 = tpu.memref_squeeze %dma_wait3A_52 : memref<1x!tpu.dma_semaphore, #tpu.memory_space<semaphore_mem>> -> memref<!tpu.dma_semaphore, #tpu.memory_space<semaphore_mem>>
    %dma_wait3A_54 = arith.constant 0 : i32
    %dma_wait3A_55 = arith.constant 0 : i32
    %dma_wait3A_56 = tpu.memref_slice %arg4[%add3A_42, %dma_wait3A_54, %dma_wait3A_55] : memref<4096x200x64xf32, #tpu.memory_space<hbm>> -> memref<1x200x64xf32, #tpu.memory_space<hbm>>
    %dma_wait3A_57 = tpu.memref_squeeze %dma_wait3A_56 : memref<1x200x64xf32, #tpu.memory_space<hbm>> -> memref<200x64xf32, #tpu.memory_space<hbm>>
    %dma_wait3A_58 = arith.constant 0 : i32
    %dma_wait3A_59 = arith.constant 0 : i32
    %dma_wait3A_60 = tpu.memref_slice %arg7[%dma_wait3A, %dma_wait3A_58, %dma_wait3A_59] : memref<4x200x64xf32, #tpu.memory_space<vmem>> -> memref<1x200x64xf32, #tpu.memory_space<vmem>>
    %dma_wait3A_61 = tpu.memref_squeeze %dma_wait3A_60 : memref<1x200x64xf32, #tpu.memory_space<vmem>> -> memref<200x64xf32, #tpu.memory_space<vmem>>
    tpu.wait_dma2 semaphore(%dma_wait3A_53 : memref<!tpu.dma_semaphore, #tpu.memory_space<semaphore_mem>>) src(%dma_wait3A_61 : memref<200x64xf32, #tpu.memory_space<vmem>>) dst(%dma_wait3A_57 : memref<200x64xf32, #tpu.memory_space<hbm>>)
    %add3A_62 = arith.constant 0 : i32
    %add3A_63 = arith.addi %mul3A_2, %add3A_62 : i32
    %dma_wait3A_64 = arith.constant 1 : i32
    %dma_wait3A_65 = arith.constant 1 : i32
    %dma_wait3A_66 = arith.constant 0 : i32
    %dma_wait3A_67 = arith.constant 0 : i32
    %dma_wait3A_68 = tpu.memref_slice %arg7[%dma_wait3A_64, %dma_wait3A_66, %dma_wait3A_67] : memref<4x200x64xf32, #tpu.memory_space<vmem>> -> memref<1x200x64xf32, #tpu.memory_space<vmem>>
    %dma_wait3A_69 = tpu.memref_squeeze %dma_wait3A_68 : memref<1x200x64xf32, #tpu.memory_space<vmem>> -> memref<200x64xf32, #tpu.memory_space<vmem>>
    %dma_wait3A_70 = arith.constant 0 : i32
    %dma_wait3A_71 = arith.constant 0 : i32
    %dma_wait3A_72 = tpu.memref_slice %arg4[%add3A_63, %dma_wait3A_70, %dma_wait3A_71] : memref<4096x200x64xf32, #tpu.memory_space<hbm>> -> memref<1x200x64xf32, #tpu.memory_space<hbm>>
    %dma_wait3A_73 = tpu.memref_squeeze %dma_wait3A_72 : memref<1x200x64xf32, #tpu.memory_space<hbm>> -> memref<200x64xf32, #tpu.memory_space<hbm>>
    %dma_wait3A_74 = tpu.memref_slice %arg9[%dma_wait3A_65] : memref<4x!tpu.dma_semaphore, #tpu.memory_space<semaphore_mem>> -> memref<1x!tpu.dma_semaphore, #tpu.memory_space<semaphore_mem>>
    %dma_wait3A_75 = tpu.memref_squeeze %dma_wait3A_74 : memref<1x!tpu.dma_semaphore, #tpu.memory_space<semaphore_mem>> -> memref<!tpu.dma_semaphore, #tpu.memory_space<semaphore_mem>>
    %dma_wait3A_76 = arith.constant 0 : i32
    %dma_wait3A_77 = arith.constant 0 : i32
    %dma_wait3A_78 = tpu.memref_slice %arg4[%add3A_63, %dma_wait3A_76, %dma_wait3A_77] : memref<4096x200x64xf32, #tpu.memory_space<hbm>> -> memref<1x200x64xf32, #tpu.memory_space<hbm>>
    %dma_wait3A_79 = tpu.memref_squeeze %dma_wait3A_78 : memref<1x200x64xf32, #tpu.memory_space<hbm>> -> memref<200x64xf32, #tpu.memory_space<hbm>>
    %dma_wait3A_80 = arith.constant 0 : i32
    %dma_wait3A_81 = arith.constant 0 : i32
    %dma_wait3A_82 = tpu.memref_slice %arg7[%dma_wait3A_64, %dma_wait3A_80, %dma_wait3A_81] : memref<4x200x64xf32, #tpu.memory_space<vmem>> -> memref<1x200x64xf32, #tpu.memory_space<vmem>>
    %dma_wait3A_83 = tpu.memref_squeeze %dma_wait3A_82 : memref<1x200x64xf32, #tpu.memory_space<vmem>> -> memref<200x64xf32, #tpu.memory_space<vmem>>
    tpu.wait_dma2 semaphore(%dma_wait3A_75 : memref<!tpu.dma_semaphore, #tpu.memory_space<semaphore_mem>>) src(%dma_wait3A_83 : memref<200x64xf32, #tpu.memory_space<vmem>>) dst(%dma_wait3A_79 : memref<200x64xf32, #tpu.memory_space<hbm>>)
    %add3A_84 = arith.constant 0 : i32
    %add3A_85 = arith.addi %mul3A_2, %add3A_84 : i32
    %dma_wait3A_86 = arith.constant 2 : i32
    %dma_wait3A_87 = arith.constant 2 : i32
    %dma_wait3A_88 = arith.constant 0 : i32
    %dma_wait3A_89 = arith.constant 0 : i32
    %dma_wait3A_90 = tpu.memref_slice %arg7[%dma_wait3A_86, %dma_wait3A_88, %dma_wait3A_89] : memref<4x200x64xf32, #tpu.memory_space<vmem>> -> memref<1x200x64xf32, #tpu.memory_space<vmem>>
    %dma_wait3A_91 = tpu.memref_squeeze %dma_wait3A_90 : memref<1x200x64xf32, #tpu.memory_space<vmem>> -> memref<200x64xf32, #tpu.memory_space<vmem>>
    %dma_wait3A_92 = arith.constant 0 : i32
    %dma_wait3A_93 = arith.constant 0 : i32
    %dma_wait3A_94 = tpu.memref_slice %arg4[%add3A_85, %dma_wait3A_92, %dma_wait3A_93] : memref<4096x200x64xf32, #tpu.memory_space<hbm>> -> memref<1x200x64xf32, #tpu.memory_space<hbm>>
    %dma_wait3A_95 = tpu.memref_squeeze %dma_wait3A_94 : memref<1x200x64xf32, #tpu.memory_space<hbm>> -> memref<200x64xf32, #tpu.memory_space<hbm>>
    %dma_wait3A_96 = tpu.memref_slice %arg9[%dma_wait3A_87] : memref<4x!tpu.dma_semaphore, #tpu.memory_space<semaphore_mem>> -> memref<1x!tpu.dma_semaphore, #tpu.memory_space<semaphore_mem>>
    %dma_wait3A_97 = tpu.memref_squeeze %dma_wait3A_96 : memref<1x!tpu.dma_semaphore, #tpu.memory_space<semaphore_mem>> -> memref<!tpu.dma_semaphore, #tpu.memory_space<semaphore_mem>>
    %dma_wait3A_98 = arith.constant 0 : i32
    %dma_wait3A_99 = arith.constant 0 : i32
    %dma_wait3A_100 = tpu.memref_slice %arg4[%add3A_85, %dma_wait3A_98, %dma_wait3A_99] : memref<4096x200x64xf32, #tpu.memory_space<hbm>> -> memref<1x200x64xf32, #tpu.memory_space<hbm>>
    %dma_wait3A_101 = tpu.memref_squeeze %dma_wait3A_100 : memref<1x200x64xf32, #tpu.memory_space<hbm>> -> memref<200x64xf32, #tpu.memory_space<hbm>>
    %dma_wait3A_102 = arith.constant 0 : i32
    %dma_wait3A_103 = arith.constant 0 : i32
    %dma_wait3A_104 = tpu.memref_slice %arg7[%dma_wait3A_86, %dma_wait3A_102, %dma_wait3A_103] : memref<4x200x64xf32, #tpu.memory_space<vmem>> -> memref<1x200x64xf32, #tpu.memory_space<vmem>>
    %dma_wait3A_105 = tpu.memref_squeeze %dma_wait3A_104 : memref<1x200x64xf32, #tpu.memory_space<vmem>> -> memref<200x64xf32, #tpu.memory_space<vmem>>
    tpu.wait_dma2 semaphore(%dma_wait3A_97 : memref<!tpu.dma_semaphore, #tpu.memory_space<semaphore_mem>>) src(%dma_wait3A_105 : memref<200x64xf32, #tpu.memory_space<vmem>>) dst(%dma_wait3A_101 : memref<200x64xf32, #tpu.memory_space<hbm>>)
    %add3A_106 = arith.constant 0 : i32
    %add3A_107 = arith.addi %mul3A_2, %add3A_106 : i32
    %dma_wait3A_108 = arith.constant 3 : i32
    %dma_wait3A_109 = arith.constant 3 : i32
    %dma_wait3A_110 = arith.constant 0 : i32
    %dma_wait3A_111 = arith.constant 0 : i32
    %dma_wait3A_112 = tpu.memref_slice %arg7[%dma_wait3A_108, %dma_wait3A_110, %dma_wait3A_111] : memref<4x200x64xf32, #tpu.memory_space<vmem>> -> memref<1x200x64xf32, #tpu.memory_space<vmem>>
    %dma_wait3A_113 = tpu.memref_squeeze %dma_wait3A_112 : memref<1x200x64xf32, #tpu.memory_space<vmem>> -> memref<200x64xf32, #tpu.memory_space<vmem>>
    %dma_wait3A_114 = arith.constant 0 : i32
    %dma_wait3A_115 = arith.constant 0 : i32
    %dma_wait3A_116 = tpu.memref_slice %arg4[%add3A_107, %dma_wait3A_114, %dma_wait3A_115] : memref<4096x200x64xf32, #tpu.memory_space<hbm>> -> memref<1x200x64xf32, #tpu.memory_space<hbm>>
    %dma_wait3A_117 = tpu.memref_squeeze %dma_wait3A_116 : memref<1x200x64xf32, #tpu.memory_space<hbm>> -> memref<200x64xf32, #tpu.memory_space<hbm>>
    %dma_wait3A_118 = tpu.memref_slice %arg9[%dma_wait3A_109] : memref<4x!tpu.dma_semaphore, #tpu.memory_space<semaphore_mem>> -> memref<1x!tpu.dma_semaphore, #tpu.memory_space<semaphore_mem>>
    %dma_wait3A_119 = tpu.memref_squeeze %dma_wait3A_118 : memref<1x!tpu.dma_semaphore, #tpu.memory_space<semaphore_mem>> -> memref<!tpu.dma_semaphore, #tpu.memory_space<semaphore_mem>>
    %dma_wait3A_120 = arith.constant 0 : i32
    %dma_wait3A_121 = arith.constant 0 : i32
    %dma_wait3A_122 = tpu.memref_slice %arg4[%add3A_107, %dma_wait3A_120, %dma_wait3A_121] : memref<4096x200x64xf32, #tpu.memory_space<hbm>> -> memref<1x200x64xf32, #tpu.memory_space<hbm>>
    %dma_wait3A_123 = tpu.memref_squeeze %dma_wait3A_122 : memref<1x200x64xf32, #tpu.memory_space<hbm>> -> memref<200x64xf32, #tpu.memory_space<hbm>>
    %dma_wait3A_124 = arith.constant 0 : i32
    %dma_wait3A_125 = arith.constant 0 : i32
    %dma_wait3A_126 = tpu.memref_slice %arg7[%dma_wait3A_108, %dma_wait3A_124, %dma_wait3A_125] : memref<4x200x64xf32, #tpu.memory_space<vmem>> -> memref<1x200x64xf32, #tpu.memory_space<vmem>>
    %dma_wait3A_127 = tpu.memref_squeeze %dma_wait3A_126 : memref<1x200x64xf32, #tpu.memory_space<vmem>> -> memref<200x64xf32, #tpu.memory_space<vmem>>
    tpu.wait_dma2 semaphore(%dma_wait3A_119 : memref<!tpu.dma_semaphore, #tpu.memory_space<semaphore_mem>>) src(%dma_wait3A_127 : memref<200x64xf32, #tpu.memory_space<vmem>>) dst(%dma_wait3A_123 : memref<200x64xf32, #tpu.memory_space<hbm>>)
    return
  }
}

module attributes {stable_mosaic.version = 14 : i64} {
  func.func @_prep_block(%arg0: i32, %arg1: memref<64x1024xf32, #tpu.memory_space<vmem>>, %arg2: memref<512x128xf32, #tpu.memory_space<vmem>>) attributes {dimension_semantics = [#tpu.dimension_semantics<arbitrary>], iteration_bounds = array<i64: 977>, scalar_prefetch = 0 : i64, scratch_operands = 0 : i64, tpu.core_type = #tpu.core_type<tc>, window_params = [{transform_indices = @transform_0, window_bounds = array<i64: 64, 1024>}, {transform_indices = @transform_1, window_bounds = array<i64: 512, 128>}]} {
    %get3A = arith.constant 0 : index
    %get3A_0 = arith.constant 0 : index
    %get3A_1 = vector.load %arg1[%get3A, %get3A_0] : memref<64x1024xf32, #tpu.memory_space<vmem>>, vector<64x1024xf32>
    %slice3A = vector.extract_strided_slice %get3A_1 {offsets = [0, 0], sizes = [64, 512], strides = [1, 1]} : vector<64x1024xf32> to vector<64x512xf32>
    %transpose3A = tpu.transpose %slice3A, [1, 0] : vector<64x512xf32> -> vector<512x64xf32>
    %mul3A = arith.constant 8.000000e+00 : f32
    %mul3A_2 = vector.broadcast %mul3A : f32 to vector<512x64xf32>
    %mul3A_3 = arith.mulf %transpose3A, %mul3A_2 : vector<512x64xf32>
    %slice3A_4 = vector.extract_strided_slice %get3A_1 {offsets = [0, 512], sizes = [64, 512], strides = [1, 1]} : vector<64x1024xf32> to vector<64x512xf32>
    %transpose3A_5 = tpu.transpose %slice3A_4, [1, 0] : vector<64x512xf32> -> vector<512x64xf32>
    %mul3A_6 = arith.constant 8.000000e+00 : f32
    %mul3A_7 = vector.broadcast %mul3A_6 : f32 to vector<512x64xf32>
    %mul3A_8 = arith.mulf %transpose3A_5, %mul3A_7 : vector<512x64xf32>
    %concatenate3A = tpu.concatenate %mul3A_3, %mul3A_8 in 1 : vector<512x64xf32>, vector<512x64xf32> -> vector<512x128xf32>
    %swap3A = arith.constant 0 : index
    %swap3A_9 = arith.constant 0 : index
    %swap3A_10 = vector.load %arg2[%swap3A, %swap3A_9] : memref<512x128xf32, #tpu.memory_space<vmem>>, vector<512x128xf32>
    tpu.vector_store %arg2[%swap3A, %swap3A_9], %concatenate3A {strides = array<i32>} : memref<512x128xf32, #tpu.memory_space<vmem>>, vector<512x128xf32>,
    return
  }
  func.func @transform_0(%arg0: i32) -> (i32, i32) {
    %c0_i32 = arith.constant 0 : i32
    %c0_i32_0 = arith.constant 0 : i32
    return %c0_i32, %arg0 : i32, i32
  }
  func.func @transform_1(%arg0: i32) -> (i32, i32) {
    %c0_i32 = arith.constant 0 : i32
    %c0_i32_0 = arith.constant 0 : i32
    return %arg0, %c0_i32 : i32, i32
  }
}

</mosaic_0001>

<sc_bundles>
// kernel: kernel.4.cloned.1.call-start
scs
__scs_entry_jumppad:
0x0: {  	(pc) =	sbr.rel $0x88, $3  }
0x1: {  	(tag) =	ssettag $0x0;
	lr =	simm.s32 $0x1  }
0x2: {  	[smem:$0x3F9F] =	sst lr;
	_ =	strace $0xD0000000  }
0x3: {  	_ = 	snop  }
0x4: {  	_ = 	snop  }
0x5: {  	_ = 	snop  }
0x6: {  	_ = 	snop  }
0x7: {  	_ = 	snop  }
__scs_overlays_trampoline_lowered:
0x8: {  	[smem:$0x3FAE] =	sst s0  }
0x9: {  	[smem:$0x3FAF] =	sst s1  }
0xa: {  	[smem:$0x3FB0] =	sst s2  }
0xb: {  	[smem:$0x3FB1] =	sst s3  }
0xc: {  	[smem:$0x3FB2] =	sst s4  }
0xd: {  	[smem:$0x3FB3] =	sst s5  }
0xe: {  	[smem:$0x3FB4] =	sst s6  }
0xf: {  	[smem:$0x3FB5] =	sst s7  }
0x10: {  	[smem:$0x3FB6] =	sst s8  }
0x11: {  	[smem:$0x3FB7] =	sst s9;
	s0 =	simm.s32 @!p0 $0x0  }
0x12: {  	s1 =	sld [smem:$0x3F9D];
	s0 =	simm.s32 @p0 $0x1  }
0x13: {  	[smem:$0x3FB8] =	sst s0;
	s0 =	simm.s32 @!p1 $0x0  }
0x14: {  	s2 =	sld [smem:$0x3F9C];
	s0 =	simm.s32 @p1 $0x1  }
0x15: {  	[smem:$0x3FB9] =	sst s0;
	s0 =	simm.s32 @!p2 $0x0  }
0x16: {  	s3 =	sld [smem:$0x3FDB];
	s0 =	simm.s32 @p2 $0x1  }
0x17: {  	s4 =	simm.s32 $0x1BF5;
	[smem:$0x3FBB] =	sst s0  }
0x18: {  	s0 =	sld [smem:$0x3F9E];
	_ =	swait.ge [sflag:s4], $0x0  }
0x19: {  	s7 =	sld [smem:$0x3F9F]  }
0x1a: {  	s8 =	sadd.s32 $0xFFFFE003, lr  }
0x1b: {  	s9 =	sadd.s32 $0xFFFFFEF7, lr;
	s5 =	simm.s32 $0xFFFFFFFF;
	p2 =	slt.u32 s8, $0xFFFFF086  }
0x1c: {  	p1 =	slt.u32 s9, $0xF7A;
	s5 =	simm.s32 @!p2 $0x0  }
0x1d: {  	s5 =	simm.s32 @p1 $0x1;
	p0 =	seq.s32 s7, s2  }
0x1e: {  	s7 =	smul.u32 @!p0 $0xF7A, s2;
	p2 =	seq.s32 @!p0 s5, $0x0  }
0x1f: {  	s9 =	smul.u32 $0xF7A, s1;
	s8 =	simm.s32 @!p0 $0x1BF5;
	p2 =	por !p2, p0  }
0x20: {  	[sflag:s8] =	ssyncset.s32 @!p0 $0xFFFFF086;
	s6 =	sadd.s32 @!p0 s3, s7;
	s7 =	simm.s32 @!p0 $0x108  }
0x21: {  	s3 =	sadd.s32 s3, s9;
	s6 =	sadd.s32 @!p0 $0x88, s6;
	s7 =	simm.s32 @p2 $0x1082  }
0x22: {  	[simem:s7], [sflag:s8] =	dma.local @!p0 [hbm:s6], $0xF7A  }
0x23: {  	s9 =	sor.u32 $0xD0000000, s2;
	s6 =	simm.s32 $0x108;
	_ =	swait.ge @!p0 [sflag:s8], $0x0  }
0x24: {  	s3 =	sadd.s32 $0x88, s3;
	s6 =	simm.s32 @!p1 $0x1082;
	[sflag:s4] =	ssyncset.s32 $0xFFFFF086  }
0x25: {  	[simem:s6], [sflag:s4] =	dma.local [hbm:s3], $0xF7A  }
0x26: {  	[smem:$0x3F9F] =	sst s1;
	(tag) =	ssettag s2;
	_ =	strace s9  }
0x27: {  	s1 =	sld [smem:$0x3FAF]  }
0x28: {  	s2 =	sld [smem:$0x3FB0]  }
0x29: {  	s4 =	sld [smem:$0x3FB2]  }
0x2a: {  	p0 =	seq.s32 s5, $0x0;
	s5 =	sld [smem:$0x3FB3]  }
0x2b: {  	s6 =	sld [smem:$0x3FB4]  }
0x2c: {  	s7 =	sld [smem:$0x3FB5]  }
0x2d: {  	s3 =	simm.s32 $0x108;
	s8 =	sld [smem:$0x3FB6]  }
0x2e: {  	s3 =	simm.s32 @!p0 $0x1082;
	s9 =	sld [smem:$0x3FB7]  }
0x2f: {  	lr =	sadd.s32 s0, s3;
	s0 =	sld [smem:$0x3FAE]  }
0x30: {  	s3 =	sld [smem:$0x3FB1]  }
0x31: {  	[smem:$0x3FBA] =	sst s10  }
0x32: {  	s10 =	sld [smem:$0x3FB8];
	_ =	sdelay $0x3  }
0x33: {  	p0 =	seq.s32 s10, $0x1;
	s10 =	sld [smem:$0x3FBA];
	_ =	sdelay $0x3  }
0x34: {  	[smem:$0x3FBA] =	sst s10  }
0x35: {  	s10 =	sld [smem:$0x3FB9];
	_ =	sdelay $0x3  }
0x36: {  	p1 =	seq.s32 s10, $0x1;
	s10 =	sld [smem:$0x3FBA];
	_ =	sdelay $0x3  }
0x37: {  	[smem:$0x3FBA] =	sst s10  }
0x38: {  	s10 =	sld [smem:$0x3FBB]  }
0x39: {  	_ = 	snop;
	(pc) =	sbr.ind lr, $3  }
0x3a: {  	_ = 	snop  }
0x3b: {  	_ = 	snop  }
0x3c: {  	p2 =	seq.s32 s10, $0x1;
	s10 =	sld [smem:$0x3FBA]  }
0x3d: {  	_ =	shalt  }
0x3e: {  	_ =	shalt  }
0x3f: {  	_ =	shalt  }
0x40: {  	_ =	shalt  }
0x41: {  	_ =	shalt  }
0x42: {  	_ =	shalt  }
0x43: {  	_ =	shalt  }
0x44: {  	_ =	shalt  }
0x45: {  	_ =	shalt  }
0x46: {  	_ =	shalt  }
0x47: {  	_ =	shalt  }
0x48: {  	_ =	shalt  }
0x49: {  	_ =	shalt  }
0x4a: {  	_ =	shalt  }
0x4b: {  	_ =	shalt  }
0x4c: {  	_ =	shalt  }
0x4d: {  	_ =	shalt  }
0x4e: {  	_ =	shalt  }
0x4f: {  	_ =	shalt  }
0x50: {  	_ =	shalt  }
0x51: {  	_ =	shalt  }
0x52: {  	_ =	shalt  }
0x53: {  	_ =	shalt  }
0x54: {  	_ =	shalt  }
0x55: {  	_ =	shalt  }
0x56: {  	_ =	shalt  }
0x57: {  	_ =	shalt  }
0x58: {  	_ =	shalt  }
0x59: {  	_ =	shalt  }
0x5a: {  	_ =	shalt  }
0x5b: {  	_ =	shalt  }
0x5c: {  	_ =	shalt  }
0x5d: {  	_ =	shalt  }
0x5e: {  	_ =	shalt  }
0x5f: {  	_ =	shalt  }
0x60: {  	_ =	shalt  }
0x61: {  	_ =	shalt  }
0x62: {  	_ =	shalt  }
0x63: {  	_ =	shalt  }
0x64: {  	_ =	shalt  }
0x65: {  	_ =	shalt  }
0x66: {  	_ =	shalt  }
0x67: {  	_ =	shalt  }
0x68: {  	_ =	shalt  }
0x69: {  	_ =	shalt  }
0x6a: {  	_ =	shalt  }
0x6b: {  	_ =	shalt  }
0x6c: {  	_ =	shalt  }
0x6d: {  	_ =	shalt  }
0x6e: {  	_ =	shalt  }
0x6f: {  	_ =	shalt  }
0x70: {  	_ =	shalt  }
0x71: {  	_ =	shalt  }
0x72: {  	_ =	shalt  }
0x73: {  	_ =	shalt  }
0x74: {  	_ =	shalt  }
0x75: {  	_ =	shalt  }
0x76: {  	_ =	shalt  }
0x77: {  	_ =	shalt  }
0x78: {  	_ =	shalt  }
0x79: {  	_ =	shalt  }
0x7a: {  	_ =	shalt  }
0x7b: {  	_ =	shalt  }
0x7c: {  	_ =	shalt  }
0x7d: {  	_ =	shalt  }
0x7e: {  	_ =	shalt  }
0x7f: {  	_ =	shalt  }
0x80: {  	_ =	shalt  }
0x81: {  	_ =	shalt  }
0x82: {  	_ =	shalt  }
0x83: {  	_ =	shalt  }
0x84: {  	_ =	shalt  }
0x85: {  	_ =	shalt  }
0x86: {  	_ =	shalt  }
0x87: {  	_ =	shalt  }
.Lfunc_end0:
.L_simem_size_0:
called_computation.1_lowered:
.L_overlay_start_0:
0x88: {  	s2 =	sld [smem:$0x3FD9]  }
0x89: {  	s3 =	sld [smem:$0x3FFE];
	_ =	sdelay $0x1  }
0x8a: {  	s1 =	srdreg.scid  }
0x8b: {  	s0 =	sand.u32 $0x1, s1  }
0x8c: {  	s17 =	sshll.u32 s0, $0xA;
	s2 =	sadd.s32 s3, s2  }
0x8d: {  	s2 =	sadd.s32 s2, s17  }
0x8e: {  	[smem:$0x3FC6] =	sst s2  }
0x8f: {  	_ = 	snop  }
0x90: {  	s2 =	sld [smem:$0x3FD0];
	(tm) =	ssettm $0x1  }
0x91: {  	s18 =	sld [smem:$0x3FFB];
	_ =	sdelay $0x3  }
0x92: {  	_ =	strace s18  }
0x93: {  	s3 =	sld [smem:$0x3FFC];
	_ =	sdelay $0x3  }
0x94: {  	_ =	strace s3  }
0x95: {  	s3 =	sld [smem:$0x3FFD];
	_ =	sdelay $0x3  }
0x96: {  	_ =	strace s3  }
0x97: {  	_ =	strace $0x8FFFFFFF  }
0x98: {  	s19 =	sld [smem:$0x3FDB];
	_ =	sdelay $0x1  }
0x99: {  	s4 =	simm.s32 $_scs_section_size  }
0x9a: {  	s5 =	simm.s32 $_size__tile_overlayer_lowered;
	s6 =	simm.s32 $_tile_overlayer_lowered  }
0x9b: {  	s22 =	simm.s32 $0x1BFF;
	s21 =	sshll.u32 s6, $0x1;
	s3 =	sadd.s32 s4, s19  }
0x9c: {  	s7 =	simm.s32 $0x0;
	s20 =	sshll.u32 s5, $0x1;
	s5 =	sadd.s32 s21, s3  }
0x9d: {  	[timem:s7], [sflag:s22] =	dma.local [hbm:s5], s20  }
0x9e: {  	_ =	swait.ge [sflag:s22], s20  }
0x9f: {  	s4 =	ssub.s32 $0x0, s20;
	[sflag:s22] =	ssyncset.done $0x0  }
0xa0: {  	[sflag:s22] =	ssyncadd.s32 s4;
	_ =	sdelay $0x1  }
0xa1: {  	s23 =	simm.s32 $0x1B8B  }
0xa2: {  	_ =	swait.ge [sflag:s23], $0x1  }
0xa3: {  	[sflag:s23] =	ssyncset.done $0x0  }
0xa4: {  	s25 =	simm.s32 $0x1B8E;
	s24 =	sld [smem:$0x3FFE];
	[sflag:s23] =	ssyncadd.s32 $0xFFFFFFFF  }
0xa5: {  	s26 =	simm.s32 $execute0_lowered;
	[smem:$0x3FD2] =	sst s25  }
0xa6: {  	s5 =	sshll.u32 s26, $0x1;
	_ =	strace $0x80000046;
	[dreg:$0x1] =	wrdreg $0xFFFFFFFF  }
0xa7: {  	s28 =	simm.s32 $_size_execute0_lowered;
	s3 =	sadd.s32 s3, s5;
	[dreg:$0x0] =	wrdreg $0x0  }
0xa8: {  	s5 =	sshll.u32 s28, $0x1;
	[dreg:$0x2] =	wrdreg s3  }
0xa9: {  	[dreg:$0x3] =	wrdreg s5  }
0xaa: {  	[dreg:$0x4] =	wrdreg $0xC0  }
0xab: {  	_ =	task [dreg:s7], $0x5FFFF  }
0xac: {  	[dreg:$0x1] =	wrdreg $0xFFFFFFFF  }
0xad: {  	[dreg:$0x0] =	wrdreg $0x60  }
0xae: {  	[dreg:$0x2] =	wrdreg s24  }
0xaf: {  	[dreg:$0x3] =	wrdreg s2  }
0xb0: {  	[dreg:$0x4] =	wrdreg $0x9  }
0xb1: {  	_ =	task.clear_ibuf [dreg:s7], $0x5FFFF;
	_ =	strace $0x90000046  }
0xb2: {  	s29 =	simm.s32 $0x9;
	_ =	strace $0x80000048  }
0xb3: {  	_ =	swait.ge [sflag:s29], $0x1  }
0xb4: {  	[sflag:s29] =	ssyncadd.s32 $0xFFFFFFFF  }
0xb5: {  	_ =	strace $0x90000048  }
0xb6: {  	_ =	sfence  }
0xb7: {  	s30 =	sld [smem:$0x0];
	_ =	sdelay $0x2  }
0xb8: {  	s31 =	sshll.u32 s1, $0xD;
	s1 =	sshrl.u32 s1, $0x2  }
0xb9: {  	s3 =	sand.u32 $0x4000, s31;
	s1 =	sadd.s32 s1, s30  }
0xba: {  	s0 =	sor.u32 s3, s0;
	s1 =	sshll.u32 s1, $0x11  }
0xbb: {  	s0 =	sor.u32 s1, s0  }
0xbc: {  	s0 =	sadd.s32 $0x8F2B, s0  }
0xbd: {  	[sflag:s0] =	ssyncadd.remote.s32 $0x1  }
0xbe: {  	_ =	sfence.sel $0xFFFF  }
0xbf: {  	[dreg:$0x0] =	wrdreg $0xFFFFFFFF;
	(pc) =	sbr.abs _section_cstart, $3  }
0xc0: {  	[dreg:$0x1] =	wrdreg $0xFFFFFFFF  }
0xc1: {  	_ =	task.clear_ibuf [dreg:s7], $0x2FFFF;
	_ =	strace $0x9FFFFFFF  }
0xc2: {  	(tm) =	ssettm $0x7FFFFFFF  }
0xc3: {  	_ =	shalt  }
tec
execute0_lowered:
.L_overlay_start_1:
0x0: {  	(tag) =	ssettag $0x1  }
0x1: {  	s1 =	srdreg.scid  }
0x2: {  	s3 =	rddreg [dreg:$0x0];
	s0 =	stileid.u32  }
0x3: {  	s6 =	rddreg [dreg:$0x1];
	s2 =	simm.s32 $0x0;
	s11 =	simm.s32 $0x64C8  }
0x4: {  	s12 =	simm.s32 $0xFA00;
	s13 =	simm.s32 $0x1;
	s14 =	simm.s32 $0x12C00  }
0x5: {  	s15 =	simm.s32 $0x15E00;
	s16 =	simm.s32 $0x3;
	s17 =	simm.s32 $0x5  }
0x6: {  	s18 =	simm.s32 $0x6;
	s19 =	simm.s32 $0x7;
	s20 =	simm.s32 $0x8  }
0x7: {  	s21 =	simm.s32 $0x0;
	s5 =	sand.u32 $0x1, s1;
	s1 =	rddreg [dreg:$0x2]  }
0x8: {  	s4 =	sshll.u32 s0, $0x8;
	[smem:$0x7FF] =	sst s2;
	s10 =	smul.u32 $0x64000, s0  }
0x9: {  	s7 =	sshll.u32 s5, $0x7;
	_ =	strace $0x80000047;
	s8 =	ssub.s32 $0x2, s5  }
0xa: {  	s31 =	smul.u32 $0x32000, s5;
	[dreg:$0x3] =	wrdreg s14;
	s4 =	sor.u32 s7, s4  }
0xb: {  	s14 =	simm.s32 $0x2;
	s9 =	sshrl.u32 s8, $0x1;
	s7 =	smul.u32 $0x19, s4  }
0xc: {  	s4 =	smul.u32 $0x640, s4;
	s8 =	ssub.s32 s8, s9;
	s9 =	simm.s32 $0x6400  }
0xd: {  	s5 =	smax.u32 s8, $0x1;
	s8 =	simm.s32 $0xC8;
	s7 =	sadd.s32 s7, s3  }
0xe: {  	s3 =	sadd.s32 $0x19800, s3;
	s29 =	sadd.s32 s6, s4;
	s6 =	sadd.s32 s10, s6  }
0xf: {  	s10 =	simm.s32 $0xC800;
	s4 =	sadd.s32 $0x800, s7;
	s30 =	sadd.s32 $0x31380, s29  }
0x10: {  	s6 =	sadd.s32 s31, s6;
	s7 =	simm.s32 $0x9;
	[dreg:$0x4] =	wrdreg s30  }
.LBB2_1:
0x11: {  	[tilespmem:s2], [sflag:$0x9] =	stream.linear.gather [hbm4b:s4+s2], $0x6400, $0x38;
	[tilespmem:$0x19000] =	vst v63  }
0x12: {  	_ =	swait.ge [sflag:s7], $0x6400  }
0x13: {  	[sflag:s7] =	ssyncset.done $0x0  }
0x14: {  	s22 =	simm.s32 $0x0;
	[sflag:s7] =	ssyncadd.s32 $0xFFFF9C00  }
0x15: {  	v0 =	vld [tilespmem:s22+$0xB0]  }
0x16: {  	v1 =	vld [tilespmem:s22+$0xB8]  }
0x17: {  	v2 =	vld [tilespmem:s22+$0x0]  }
0x18: {  	v3 =	vld [tilespmem:s22+$0x10]  }
0x19: {  	v4 =	vld [tilespmem:s22+$0x20]  }
0x1a: {  	v5 =	vld [tilespmem:s22+$0x30]  }
0x1b: {  	v6 =	vld [tilespmem:s22+$0x40]  }
0x1c: {  	v11 =	vld [tilespmem:s22+$0x60]  }
0x1d: {  	v16 =	vld [tilespmem:s22+$0xA0]  }
0x1e: {  	v7 =	vand.u32 $0xFFFFFC00, v0  }
0x1f: {  	v9 =	vld [tilespmem:s22+$0x50];
	v8 =	vshll.u32 v0, $0x1;
	v0 =	vshrl.u32 v0, $0x9;
	v10 =	vand.u32 $0xFFFFFC00, v1  }
0x20: {  	v12 =	vshll.u32 v1, $0x1;
	v1 =	vshrl.u32 v1, $0x9;
	v13 =	vshll.u32 v4, $0x1  }
0x21: {  	v14 =	vshll.u32 v5, $0x1;
	v15 =	vshll.u32 v6, $0x1;
	v17 =	vshll.u32 v11, $0x1  }
0x22: {  	v20 =	vand.u32 $0xFFFFFC00, v2;
	v22 =	vshll.u32 v16, $0x1;
	v23 =	vand.u32 $0xFFFFFC00, v3  }
0x23: {  	v24 =	vshrl.u32 v3, $0x9;
	v25 =	vshrl.u32 v4, $0x9;
	v26 =	vshrl.u32 v5, $0x9  }
0x24: {  	v27 =	vshrl.u32 v6, $0x9;
	v28 =	vshrl.u32 v9, $0x9;
	v29 =	vand.u32 $0xFFFFFC00, v11  }
0x25: {  	v11 =	vshrl.u32 v11, $0x9;
	v35 =	vand.u32 $0xFFFFFC00, v16;
	v36 =	vshrl.u32 v16, $0x9  }
0x26: {  	v8 =	vand.u32 $0x3FE, v8;
	v0 =	vand.u32 $0x1, v0;
	v12 =	vand.u32 $0x3FE, v12  }
0x27: {  	v1 =	vand.u32 $0x1, v1;
	v13 =	vand.u32 $0x3FE, v13;
	v14 =	vand.u32 $0x3FE, v14  }
0x28: {  	v15 =	vand.u32 $0x3FE, v15;
	v17 =	vand.u32 $0x3FE, v17;
	v16 =	vand.u32 $0x1, v26  }
0x29: {  	v7 =	vor.u32 v7, v8;
	v10 =	vor.u32 v10, v12;
	v12 =	vshll.u32 v3, $0x1  }
0x2a: {  	v3 =	vand.u32 $0x3FE, v22;
	v22 =	vand.u32 $0xFFFFFC00, v4;
	v4 =	vand.u32 $0xFFFFFC00, v5  }
0x2b: {  	v8 =	vld [tilespmem:s22+$0x70];
	v5 =	vand.u32 $0xFFFFFC00, v6;
	v6 =	vand.u32 $0xFFFFFC00, v9;
	v0 =	vor.u32 v0, v7  }
0x2c: {  	v7 =	vld [tilespmem:s22+$0x80];
	v1 =	vor.u32 v1, v10;
	v3 =	vor.u32 v35, v3;
	[tilespmem:s22+$0x64B0] =	vst v0;
	v0 =	vshll.u32 v2, $0x1  }
0x2d: {  	v10 =	vld [tilespmem:s22+$0x90];
	v2 =	vshrl.u32 v2, $0x9;
	[tilespmem:s22+$0x64B8] =	vst v1;
	v0 =	vand.u32 $0x3FE, v0;
	v1 =	vand.u32 $0x3FE, v12  }
0x2e: {  	v12 =	vshll.u32 v9, $0x1;
	v9 =	vor.u32 v4, v14;
	v14 =	vand.u32 $0x1, v28  }
0x2f: {  	v12 =	vand.u32 $0x3FE, v12;
	v20 =	vor.u32 v20, v0;
	v23 =	vor.u32 v23, v1  }
0x30: {  	v18 =	vshll.u32 v8, $0x1;
	v30 =	vand.u32 $0xFFFFFC00, v8;
	v31 =	vshrl.u32 v8, $0x9  }
0x31: {  	v4 =	vor.u32 v6, v12;
	v18 =	vand.u32 $0x3FE, v18;
	v19 =	vshll.u32 v7, $0x1  }
0x32: {  	v21 =	vshll.u32 v10, $0x1;
	v8 =	vand.u32 $0xFFFFFC00, v7;
	v32 =	vshrl.u32 v7, $0x9  }
0x33: {  	v33 =	vand.u32 $0xFFFFFC00, v10;
	v34 =	vshrl.u32 v10, $0x9;
	v10 =	vor.u32 v22, v13  }
0x34: {  	v7 =	vor.u32 v5, v15;
	v5 =	vor.u32 v29, v17;
	v22 =	vand.u32 $0x1, v24  }
0x35: {  	v17 =	vand.u32 $0x1, v27;
	v13 =	vand.u32 $0x1, v11;
	v15 =	vand.u32 $0x1, v31  }
0x36: {  	v19 =	vand.u32 $0x3FE, v19;
	v21 =	vand.u32 $0x3FE, v21;
	v6 =	vor.u32 v30, v18  }
0x37: {  	s23 =	simm.s32 $0xC8;
	v18 =	vand.u32 $0x1, v25;
	v11 =	vand.u32 $0x1, v32;
	v12 =	vand.u32 $0x1, v34  }
0x38: {  	v0 =	vor.u32 v8, v19;
	v19 =	vand.u32 $0x1, v2;
	v2 =	vor.u32 v33, v21;
	v8 =	vld [tilespmem:s23+$0xB0]  }
0x39: {  	s24 =	simm.s32 $0x640;
	v1 =	vld [tilespmem:s23+$0xB8];
	v21 =	vor.u32 v19, v20;
	v20 =	vor.u32 v22, v23;
	v19 =	vand.u32 $0x1, v36  }
.LBB2_2:
0x3a: {  	p0 =	sne.s32 s24, $0x18CE0;
	v22 =	vld [tilespmem:s23+$0x0];
	[tilespmem:s22+$0x6400] =	vst v21;
	v10 =	vor.u32 v18, v10;
	v9 =	vor.u32 v16, v9;
	v7 =	vor.u32 v17, v7  }
0x3b: {  	v4 =	vor.u32 v14, v4;
	v5 =	vor.u32 v13, v5;
	v6 =	vor.u32 v15, v6;
	v16 =	vld [tilespmem:s23+$0x10];
	[tilespmem:s22+$0x6410] =	vst v20  }
0x3c: {  	v0 =	vor.u32 v11, v0;
	v2 =	vor.u32 v12, v2;
	v3 =	vor.u32 v19, v3;
	v13 =	vld [tilespmem:s23+$0x20];
	[tilespmem:s22+$0x6420] =	vst v10  }
0x3d: {  	v10 =	vld [tilespmem:s23+$0x30];
	v11 =	vand.u32 $0xFFFFFC00, v8;
	[tilespmem:s22+$0x6430] =	vst v9  }
0x3e: {  	v12 =	vshll.u32 v8, $0x1;
	v8 =	vshrl.u32 v8, $0x9;
	v9 =	vld [tilespmem:s23+$0x40];
	v14 =	vand.u32 $0xFFFFFC00, v1;
	[tilespmem:s22+$0x6440] =	vst v7  }
0x3f: {  	v12 =	vand.u32 $0x3FE, v12;
	v15 =	vshll.u32 v1, $0x1;
	v1 =	vshrl.u32 v1, $0x9;
	v7 =	vld [tilespmem:s23+$0x50];
	[tilespmem:s22+$0x6450] =	vst v4  }
0x40: {  	v8 =	vand.u32 $0x1, v8;
	v11 =	vor.u32 v11, v12;
	v12 =	vand.u32 $0x3FE, v15;
	v4 =	vld [tilespmem:s23+$0x60];
	[tilespmem:s22+$0x6460] =	vst v5  }
0x41: {  	v1 =	vand.u32 $0x1, v1;
	v8 =	vor.u32 v8, v11;
	v11 =	vor.u32 v14, v12;
	v5 =	vld [tilespmem:s23+$0x70];
	[tilespmem:s22+$0x6470] =	vst v6  }
0x42: {  	v12 =	vshll.u32 v16, $0x1;
	v6 =	vshll.u32 v22, $0x1;
	v1 =	vor.u32 v1, v11;
	v14 =	vld [tilespmem:s23+$0x80];
	[tilespmem:s23+$0x64B0] =	vst v8  }
0x43: {  	v8 =	vshll.u32 v13, $0x1;
	v11 =	vshll.u32 v10, $0x1;
	v15 =	vshll.u32 v9, $0x1;
	v17 =	vld [tilespmem:s23+$0x90];
	[tilespmem:s23+$0x64B8] =	vst v1  }
0x44: {  	v1 =	vand.u32 $0x3FE, v6;
	v6 =	vand.u32 $0x3FE, v12;
	v12 =	vshll.u32 v7, $0x1;
	v18 =	vld [tilespmem:s23+$0xA0];
	[tilespmem:s22+$0x6480] =	vst v0  }
0x45: {  	v0 =	vand.u32 $0x3FE, v8;
	v8 =	vand.u32 $0x3FE, v11;
	v11 =	vshll.u32 v4, $0x1;
	[tilespmem:s22+$0x6490] =	vst v2  }
0x46: {  	v2 =	vand.u32 $0x3FE, v15;
	v12 =	vand.u32 $0x3FE, v12;
	v15 =	vshll.u32 v5, $0x1;
	[tilespmem:s22+$0x64A0] =	vst v3;
	s22 =	smov.u32 s23  }
0x47: {  	v3 =	vand.u32 $0x3FE, v11;
	v11 =	vand.u32 $0x3FE, v15;
	v15 =	vshll.u32 v14, $0x1  }
0x48: {  	v19 =	vand.u32 $0xFFFFFC00, v22;
	v15 =	vand.u32 $0x3FE, v15;
	v20 =	vshll.u32 v17, $0x1  }
0x49: {  	v21 =	vshrl.u32 v22, $0x9;
	v20 =	vand.u32 $0x3FE, v20;
	v22 =	vshll.u32 v18, $0x1  }
0x4a: {  	v23 =	vand.u32 $0xFFFFFC00, v16;
	v16 =	vshrl.u32 v16, $0x9;
	v22 =	vand.u32 $0x3FE, v22  }
0x4b: {  	v24 =	vand.u32 $0xFFFFFC00, v13;
	v13 =	vshrl.u32 v13, $0x9;
	v25 =	vand.u32 $0xFFFFFC00, v10  }
0x4c: {  	v26 =	vshrl.u32 v10, $0x9;
	v27 =	vand.u32 $0xFFFFFC00, v9;
	v28 =	vshrl.u32 v9, $0x9  }
0x4d: {  	v29 =	vand.u32 $0xFFFFFC00, v7;
	v30 =	vshrl.u32 v7, $0x9;
	v31 =	vand.u32 $0xFFFFFC00, v4  }
0x4e: {  	v32 =	vshrl.u32 v4, $0x9;
	v33 =	vand.u32 $0xFFFFFC00, v5;
	v34 =	vshrl.u32 v5, $0x9  }
0x4f: {  	v35 =	vand.u32 $0xFFFFFC00, v14;
	v36 =	vshrl.u32 v14, $0x9;
	v14 =	vand.u32 $0xFFFFFC00, v17  }
0x50: {  	v37 =	vshrl.u32 v17, $0x9;
	v17 =	vand.u32 $0xFFFFFC00, v18;
	v38 =	vshrl.u32 v18, $0x9  }
0x51: {  	v19 =	vor.u32 v19, v1;
	v23 =	vor.u32 v23, v6;
	v10 =	vor.u32 v24, v0  }
0x52: {  	v9 =	vor.u32 v25, v8;
	v7 =	vor.u32 v27, v2;
	v4 =	vor.u32 v29, v12  }
0x53: {  	v5 =	vor.u32 v31, v3;
	v6 =	vor.u32 v33, v11;
	v0 =	vor.u32 v35, v15  }
.Ltmp0:
0x54: {  	v21 =	vand.u32 $0x1, v21;
	v2 =	vor.u32 v14, v20;
	v3 =	vor.u32 v17, v22;
	(pc) =	sbr.rel @p0 .LBB2_2-.Ltmp0, $4  }
0x55: {  	v18 =	vand.u32 $0x1, v13;
	v20 =	vand.u32 $0x1, v16;
	v16 =	vand.u32 $0x1, v26  }
0x56: {  	s23 =	sshra.s32 s24, $0x2;
	v13 =	vand.u32 $0x1, v32;
	v14 =	vand.u32 $0x1, v30;
	v17 =	vand.u32 $0x1, v28  }
0x57: {  	v11 =	vand.u32 $0x1, v36;
	v15 =	vand.u32 $0x1, v34;
	v12 =	vand.u32 $0x1, v37;
	v8 =	vld [tilespmem:s23+$0xB0]  }
0x58: {  	v21 =	vor.u32 v21, v19;
	s24 =	sadd.s32 $0x320, s24;
	v19 =	vand.u32 $0x1, v38;
	v20 =	vor.u32 v20, v23;
	v1 =	vld [tilespmem:s23+$0xB8]  }
0x59: {  	v10 =	vor.u32 v18, v10;
	v9 =	vor.u32 v16, v9;
	v7 =	vor.u32 v17, v7  }
0x5a: {  	v22 =	vld [tilespmem:s23+$0x0];
	v4 =	vor.u32 v14, v4;
	v5 =	vor.u32 v13, v5;
	v6 =	vor.u32 v15, v6  }
0x5b: {  	[tilespmem:s22+$0x6400] =	vst v21;
	v0 =	vor.u32 v11, v0;
	v2 =	vor.u32 v12, v2;
	v3 =	vor.u32 v19, v3  }
0x5c: {  	v21 =	vld [tilespmem:s23+$0x10];
	[tilespmem:s22+$0x6410] =	vst v20;
	v54 =	vand.u32 $0xFFFFFC00, v8;
	v55 =	vshll.u32 v8, $0x1;
	v56 =	vshrl.u32 v8, $0x9  }
0x5d: {  	v53 =	vld [tilespmem:s23+$0x20];
	[tilespmem:s22+$0x6420] =	vst v10;
	v57 =	vand.u32 $0xFFFFFC00, v1;
	v12 =	vand.u32 $0x3FE, v55;
	v58 =	vshll.u32 v1, $0x1  }
0x5e: {  	v10 =	vld [tilespmem:s23+$0x30];
	[tilespmem:s22+$0x6430] =	vst v9;
	v8 =	vand.u32 $0x1, v56;
	v61 =	vshrl.u32 v1, $0x9;
	v11 =	vor.u32 v54, v12  }
0x5f: {  	v9 =	vld [tilespmem:s23+$0x40];
	[tilespmem:s22+$0x6440] =	vst v7;
	v60 =	vand.u32 $0x3FE, v58;
	v1 =	vand.u32 $0x1, v61;
	v32 =	vshll.u32 v22, $0x1  }
0x60: {  	v7 =	vld [tilespmem:s23+$0x50];
	[tilespmem:s22+$0x6450] =	vst v4;
	v23 =	vand.u32 $0xFFFFFC00, v22;
	v22 =	vshrl.u32 v22, $0x9;
	v62 =	vor.u32 v8, v11  }
0x61: {  	v4 =	vld [tilespmem:s23+$0x60];
	[tilespmem:s22+$0x6460] =	vst v5;
	v5 =	vor.u32 v57, v60;
	v33 =	vshll.u32 v21, $0x1;
	v38 =	vand.u32 $0x3FE, v32  }
0x62: {  	v26 =	vand.u32 $0xFFFFFC00, v21;
	v21 =	vshrl.u32 v21, $0x9;
	v22 =	vand.u32 $0x1, v22  }
0x63: {  	v1 =	vor.u32 v1, v5;
	v34 =	vshll.u32 v53, $0x1;
	v39 =	vand.u32 $0x3FE, v33  }
0x64: {  	v27 =	vand.u32 $0xFFFFFC00, v53;
	v18 =	vshrl.u32 v53, $0x9;
	v45 =	vor.u32 v23, v38  }
0x65: {  	v49 =	vand.u32 $0x1, v21;
	v35 =	vshll.u32 v10, $0x1;
	v5 =	vand.u32 $0x3FE, v34  }
0x66: {  	v28 =	vand.u32 $0xFFFFFC00, v10;
	v10 =	vshrl.u32 v10, $0x9;
	v48 =	vor.u32 v26, v39  }
0x67: {  	v59 =	vld [tilespmem:s23+$0x70];
	[tilespmem:s22+$0x6470] =	vst v6;
	v18 =	vand.u32 $0x1, v18;
	v37 =	vshll.u32 v9, $0x1;
	v6 =	vand.u32 $0x3FE, v35  }
0x68: {  	v63 =	vld [tilespmem:s23+$0x80];
	[tilespmem:s23+$0x64B0] =	vst v62;
	v29 =	vand.u32 $0xFFFFFC00, v9;
	v9 =	vshrl.u32 v9, $0x9;
	v5 =	vor.u32 v27, v5  }
0x69: {  	v36 =	vld [tilespmem:s23+$0x90];
	[tilespmem:s23+$0x64B8] =	vst v1;
	v51 =	vand.u32 $0x1, v10;
	v40 =	vshll.u32 v7, $0x1;
	v15 =	vand.u32 $0x3FE, v37  }
0x6a: {  	v41 =	vld [tilespmem:s23+$0xA0];
	v30 =	vand.u32 $0xFFFFFC00, v7;
	v7 =	vshrl.u32 v7, $0x9;
	[tilespmem:s22+$0x6480] =	vst v0;
	v0 =	vor.u32 v22, v45  }
0x6b: {  	[tilespmem:s22+$0x64A0] =	vst v3;
	v3 =	vor.u32 v49, v48;
	v50 =	vor.u32 v28, v6;
	v5 =	vor.u32 v18, v5  }
0x6c: {  	v9 =	vand.u32 $0x1, v9;
	v42 =	vshll.u32 v4, $0x1;
	v12 =	vand.u32 $0x3FE, v40  }
0x6d: {  	[tilespmem:s22+$0x6490] =	vst v2;
	v31 =	vand.u32 $0xFFFFFC00, v4;
	v4 =	vshrl.u32 v4, $0x9;
	v52 =	vor.u32 v29, v15  }
0x6e: {  	[tilespmem:s23+$0x6400] =	vst v0;
	v0 =	vor.u32 v51, v50;
	v54 =	vand.u32 $0x1, v7;
	v43 =	vshll.u32 v59, $0x1  }
0x6f: {  	v17 =	vand.u32 $0x3FE, v42;
	v32 =	vand.u32 $0xFFFFFC00, v59;
	v14 =	vshrl.u32 v59, $0x9  }
0x70: {  	[tilespmem:s23+$0x6410] =	vst v3;
	v53 =	vor.u32 v30, v12;
	v3 =	vor.u32 v9, v52;
	v4 =	vand.u32 $0x1, v4  }
0x71: {  	v19 =	vand.u32 $0x3FE, v43;
	v44 =	vshll.u32 v63, $0x1;
	v24 =	vshll.u32 v36, $0x1  }
0x72: {  	v25 =	vshll.u32 v41, $0x1;
	v33 =	vand.u32 $0xFFFFFC00, v63;
	v8 =	vshrl.u32 v63, $0x9  }
0x73: {  	[tilespmem:s23+$0x6420] =	vst v5;
	v46 =	vand.u32 $0xFFFFFC00, v36;
	v13 =	vshrl.u32 v36, $0x9;
	v47 =	vand.u32 $0xFFFFFC00, v41  }
0x74: {  	[tilespmem:s23+$0x6430] =	vst v0;
	v16 =	vshrl.u32 v41, $0x9;
	v55 =	vor.u32 v31, v17;
	v5 =	vor.u32 v54, v53  }
0x75: {  	[tilespmem:s23+$0x6440] =	vst v3;
	v57 =	vand.u32 $0x1, v14;
	v20 =	vand.u32 $0x3FE, v44;
	v24 =	vand.u32 $0x3FE, v24  }
0x76: {  	v25 =	vand.u32 $0x3FE, v25;
	v56 =	vor.u32 v32, v19;
	v0 =	vor.u32 v4, v55;
	[tilespmem:s23+$0x6450] =	vst v5  }
0x77: {  	v59 =	vand.u32 $0x1, v8;
	v58 =	vor.u32 v33, v20;
	v3 =	vor.u32 v57, v56;
	[tilespmem:s23+$0x6460] =	vst v0  }
0x78: {  	v61 =	vand.u32 $0x1, v13;
	v60 =	vor.u32 v46, v24;
	v4 =	vor.u32 v59, v58;
	[tilespmem:s23+$0x6470] =	vst v3  }
0x79: {  	v62 =	vand.u32 $0x1, v16;
	v2 =	vor.u32 v47, v25;
	v0 =	vor.u32 v61, v60;
	[tilespmem:s23+$0x6480] =	vst v4  }
0x7a: {  	v63 =	vor.u32 v62, v2;
	[tilespmem:s23+$0x6490] =	vst v0  }
0x7b: {  	[tilespmem:s23+$0x64A0] =	vst v63  }
0x7c: {  	[tilespmem:s10], [sflag:$0x1] =	stream.indirect.gather [hbm4b:s3+s8], $0x40, s9, s8, $0xb8;
	[tilespmem:$0x19000] =	vst v63  }
0x7d: {  	_ = 	snop  }
0x7e: {  	[tilespmem:s12], [sflag:$0x2] =	stream.indirect.gather [hbm4b:s3+s8], $0x40, s11, s8, $0xb8;
	[tilespmem:$0x19000] =	vst v63  }
0x7f: {  	_ =	swait.ge [sflag:s13], $0x3200  }
0x80: {  	p0 =	por $0x1, $0x1;
	[sflag:s13] =	ssyncset.done $0x0  }
0x81: {  	s22 =	simm.s32 @!p0 $0x7;
	[sflag:s13] =	ssyncadd.s32 $0xFFFFCE00  }
0x82: {  	_ =	swait.ge @!p0 [sflag:s22], $0x3200  }
0x83: {  	[sflag:s22] =	ssyncset.done @!p0 $0x0  }
0x84: {  	s29 =	simm.s32 $0x6590;
	s28 =	rddreg [dreg:$0x3];
	[sflag:s22] =	ssyncadd.s32 @!p0 $0xFFFFCE00  }
0x85: {  	[tilespmem:s28], [sflag:$0x3] =	stream.indirect.gather [hbm4b:s3+s8], $0x40, s29, s8, $0xb8;
	[tilespmem:$0x19000] =	vst v63  }
0x86: {  	_ = 	snop  }
0x87: {  	[hbm4b:s6+s2] =	stream.linear.scatter [tilespmem:s10], [sflag:$0x5], $0x3200, $0x38;
	[tilespmem:$0x19000] =	vst v63  }
0x88: {  	_ =	swait.ge [sflag:s14], $0x3200  }
0x89: {  	[sflag:s14] =	ssyncset.done $0x0  }
0x8a: {  	s22 =	simm.s32 @!p0 $0x8;
	[sflag:s14] =	ssyncadd.s32 $0xFFFFCE00  }
0x8b: {  	_ =	swait.ge @!p0 [sflag:s22], $0x3200  }
0x8c: {  	[sflag:s22] =	ssyncset.done @!p0 $0x0  }
0x8d: {  	s30 =	simm.s32 $0x6658;
	[sflag:s22] =	ssyncadd.s32 @!p0 $0xFFFFCE00  }
0x8e: {  	[tilespmem:s15], [sflag:$0x4] =	stream.indirect.gather [hbm4b:s3+s8], $0x40, s30, s8, $0xb8;
	[tilespmem:$0x19000] =	vst v63  }
0x8f: {  	s31 =	sadd.s32 $0x640, s6  }
0x90: {  	[hbm4b:s31+s2] =	stream.linear.scatter [tilespmem:s12], [sflag:$0x6], $0x3200, $0x38;
	[tilespmem:$0x19000] =	vst v63  }
0x91: {  	p0 =	por $0x0, $0x0;
	_ =	swait.ge [sflag:s16], $0x3200  }
0x92: {  	s23 =	simm.s32 @p0 $0x0;
	s24 =	simm.s32 @p0 $0x12C00;
	[sflag:s16] =	ssyncset.done $0x0  }
0x93: {  	s25 =	simm.s32 @p0 $0x4;
	s22 =	rddreg [dreg:$0x4];
	[sflag:s16] =	ssyncadd.s32 $0xFFFFCE00  }
0x94: {  	[hbm4b:s22+s23] =	stream.linear.scatter @p0 [tilespmem:s24], [sflag:$0x7], $0x3200, $0x38;
	[tilespmem:$0x19000] =	vst v63  }
0x95: {  	_ =	swait.ge @p0 [sflag:s25], $0x3200  }
0x96: {  	[sflag:s25] =	ssyncset.done @p0 $0x0  }
0x97: {  	s22 =	simm.s32 @!p0 $0x5;
	[sflag:s25] =	ssyncadd.s32 @p0 $0xFFFFCE00  }
0x98: {  	_ =	swait.ge @!p0 [sflag:s22], $0x3200  }
0x99: {  	s26 =	simm.s32 @!p0 $0xC800;
	s23 =	simm.s32 @!p0 $0x6720;
	[sflag:s22] =	ssyncset.done @!p0 $0x0  }
0x9a: {  	s24 =	simm.s32 @!p0 $0x12C00;
	s25 =	simm.s32 @!p0 $0xC8;
	[sflag:s22] =	ssyncadd.s32 @!p0 $0xFFFFCE00  }
0x9b: {  	[tilespmem:s26], [sflag:$0x1] =	stream.indirect.gather @!p0 [hbm4b:s3+s25], $0x40, s23, s25, $0xb8;
	[tilespmem:$0x19000] =	vst v63  }
0x9c: {  	s22 =	sadd.s32 @!p0 $0xC80, s6;
	s23 =	simm.s32 @!p0 $0x0;
	s26 =	simm.s32 @!p0 $0x4  }
0x9d: {  	[hbm4b:s22+s23] =	stream.linear.scatter @!p0 [tilespmem:s24], [sflag:$0x7], $0x3200, $0x38;
	[tilespmem:$0x19000] =	vst v63  }
0x9e: {  	_ =	swait.ge @!p0 [sflag:s26], $0x3200  }
0x9f: {  	[sflag:s26] =	ssyncset.done @!p0 $0x0  }
0xa0: {  	s22 =	simm.s32 @!p0 $0x6;
	[sflag:s26] =	ssyncadd.s32 @!p0 $0xFFFFCE00  }
0xa1: {  	_ =	swait.ge @!p0 [sflag:s22], $0x3200  }
0xa2: {  	[sflag:s22] =	ssyncset.done @!p0 $0x0  }
0xa3: {  	s23 =	simm.s32 @!p0 $0x67E8;
	s24 =	simm.s32 @!p0 $0xFA00;
	[sflag:s22] =	ssyncadd.s32 @!p0 $0xFFFFCE00  }
0xa4: {  	[tilespmem:s24], [sflag:$0x2] =	stream.indirect.gather @!p0 [hbm4b:s3+s25], $0x40, s23, s25, $0xb8;
	[tilespmem:$0x19000] =	vst v63  }
0xa5: {  	s22 =	simm.s32 $0xC80;
	s24 =	sadd.s32 $0x12C0, s6;
	s23 =	smov.u32 s6  }
.LBB2_4:
0xa6: {  	[hbm4b:s24+s2] =	stream.linear.scatter [tilespmem:s15], [sflag:$0x8], $0x3200, $0x38;
	[tilespmem:$0x19000] =	vst v63  }
0xa7: {  	s25 =	smov.u32 s22;
	_ =	swait.ge [sflag:s13], $0x3200  }
0xa8: {  	p1 =	seq.s32 s25, $0x0;
	[sflag:s13] =	ssyncset.done $0x0  }
0xa9: {  	s24 =	simm.s32 @!p1 $0x7;
	[sflag:s13] =	ssyncadd.s32 $0xFFFFCE00  }
0xaa: {  	_ =	swait.ge @!p1 [sflag:s24], $0x3200  }
0xab: {  	s26 =	sshra.s32 s25, $0x2;
	[sflag:s24] =	ssyncset.done @!p1 $0x0  }
0xac: {  	s30 =	sadd.s32 $0x6590, s26;
	s28 =	rddreg [dreg:$0x3];
	[sflag:s24] =	ssyncadd.s32 @!p1 $0xFFFFCE00  }
0xad: {  	[tilespmem:s28], [sflag:$0x3] =	stream.indirect.gather [hbm4b:s3+s8], $0x40, s30, s8, $0xb8;
	[tilespmem:$0x19000] =	vst v63  }
0xae: {  	s23 =	sadd.s32 $0x1900, s23  }
0xaf: {  	[hbm4b:s23+s2] =	stream.linear.scatter [tilespmem:s10], [sflag:$0x5], $0x3200, $0x38;
	[tilespmem:$0x19000] =	vst v63  }
0xb0: {  	_ =	swait.ge [sflag:s14], $0x3200  }
0xb1: {  	[sflag:s14] =	ssyncset.done $0x0  }
0xb2: {  	s24 =	simm.s32 @!p1 $0x8;
	[sflag:s14] =	ssyncadd.s32 $0xFFFFCE00  }
0xb3: {  	_ =	swait.ge @!p1 [sflag:s24], $0x3200  }
0xb4: {  	[sflag:s24] =	ssyncset.done @!p1 $0x0  }
0xb5: {  	s26 =	sadd.s32 $0x6658, s26;
	[sflag:s24] =	ssyncadd.s32 @!p1 $0xFFFFCE00  }
0xb6: {  	[tilespmem:s15], [sflag:$0x4] =	stream.indirect.gather [hbm4b:s3+s8], $0x40, s26, s8, $0xb8;
	[tilespmem:$0x19000] =	vst v63  }
0xb7: {  	s31 =	sadd.s32 $0x640, s23  }
0xb8: {  	[hbm4b:s31+s2] =	stream.linear.scatter [tilespmem:s12], [sflag:$0x6], $0x3200, $0x38;
	[tilespmem:$0x19000] =	vst v63  }
0xb9: {  	p1 =	seq.s32 s25, $0x18380;
	_ =	swait.ge [sflag:s16], $0x3200  }
0xba: {  	s26 =	simm.s32 @p1 $0x0;
	s28 =	simm.s32 @p1 $0x12C00;
	[sflag:s16] =	ssyncset.done $0x0  }
0xbb: {  	s29 =	simm.s32 @p1 $0x4;
	s24 =	rddreg [dreg:$0x4];
	[sflag:s16] =	ssyncadd.s32 $0xFFFFCE00  }
0xbc: {  	[hbm4b:s24+s26] =	stream.linear.scatter @p1 [tilespmem:s28], [sflag:$0x7], $0x3200, $0x38;
	[tilespmem:$0x19000] =	vst v63  }
0xbd: {  	_ =	swait.ge @p1 [sflag:s29], $0x3200  }
0xbe: {  	[sflag:s29] =	ssyncset.done @p1 $0x0  }
0xbf: {  	s26 =	simm.s32 @!p1 $0x5;
	[sflag:s29] =	ssyncadd.s32 @p1 $0xFFFFCE00  }
0xc0: {  	s25 =	sshra.s32 @!p1 s25, $0x2;
	_ =	swait.ge @!p1 [sflag:s26], $0x3200  }
0xc1: {  	s30 =	simm.s32 @!p1 $0xC800;
	s31 =	simm.s32 @!p1 $0x0;
	[sflag:s26] =	ssyncset.done @!p1 $0x0  }
0xc2: {  	s24 =	sadd.s32 @!p1 $0x6720, s25;
	s29 =	simm.s32 @!p1 $0xC8;
	[sflag:s26] =	ssyncadd.s32 @!p1 $0xFFFFCE00  }
0xc3: {  	[tilespmem:s30], [sflag:$0x1] =	stream.indirect.gather @!p1 [hbm4b:s3+s29], $0x40, s24, s29, $0xb8;
	[tilespmem:$0x19000] =	vst v63  }
0xc4: {  	s28 =	simm.s32 @!p1 $0x12C00;
	s26 =	sadd.s32 @!p1 $0xC80, s23;
	s24 =	simm.s32 @!p1 $0x4  }
0xc5: {  	[hbm4b:s26+s31] =	stream.linear.scatter @!p1 [tilespmem:s28], [sflag:$0x7], $0x3200, $0x38;
	[tilespmem:$0x19000] =	vst v63  }
0xc6: {  	s22 =	sadd.s32 $0xC80, s22;
	_ =	swait.ge @!p1 [sflag:s24], $0x3200  }
0xc7: {  	p0 =	sne.s32 s22, $0x19000;
	[sflag:s24] =	ssyncset.done @!p1 $0x0  }
.Ltmp1:
0xc8: {  	s26 =	simm.s32 @!p1 $0x6;
	[sflag:s24] =	ssyncadd.s32 @!p1 $0xFFFFCE00;
	(pc) =	sbr.rel @p0 .LBB2_4-.Ltmp1, $4  }
0xc9: {  	_ =	swait.ge @!p1 [sflag:s26], $0x3200  }
0xca: {  	s25 =	sadd.s32 @!p1 $0x67E8, s25;
	[sflag:s26] =	ssyncset.done @!p1 $0x0  }
0xcb: {  	s28 =	simm.s32 @!p1 $0xFA00;
	s24 =	sadd.s32 $0x12C0, s23;
	[sflag:s26] =	ssyncadd.s32 @!p1 $0xFFFFCE00  }
0xcc: {  	[tilespmem:s28], [sflag:$0x2] =	stream.indirect.gather @!p1 [hbm4b:s3+s29], $0x40, s25, s29, $0xb8;
	[tilespmem:$0x19000] =	vst v63  }
0xcd: {  	[hbm4b:s24+s2] =	stream.linear.scatter [tilespmem:s15], [sflag:$0x8], $0x3200, $0x38;
	[tilespmem:$0x19000] =	vst v63  }
0xce: {  	_ =	swait.ge [sflag:s17], $0x3200  }
0xcf: {  	[sflag:s17] =	ssyncset.done $0x0  }
0xd0: {  	[sflag:s17] =	ssyncadd.s32 $0xFFFFCE00  }
0xd1: {  	_ =	swait.ge [sflag:s18], $0x3200  }
0xd2: {  	[sflag:s18] =	ssyncset.done $0x0  }
0xd3: {  	s21 =	sadd.s32 $0x1, s21;
	[sflag:s18] =	ssyncadd.s32 $0xFFFFCE00  }
0xd4: {  	p0 =	sne.s32 s21, s5;
	_ =	swait.ge [sflag:s19], $0x3200  }
.Ltmp2:
0xd5: {  	[sflag:s19] =	ssyncset.done $0x0;
	(pc) =	sbr.rel @p0 .LBB2_1-.Ltmp2, $4  }
0xd6: {  	[sflag:s19] =	ssyncadd.s32 $0xFFFFCE00  }
0xd7: {  	_ =	swait.ge [sflag:s20], $0x3200  }
0xd8: {  	[sflag:s20] =	ssyncset.done $0x0  }
0xd9: {  	[sflag:s20] =	ssyncadd.s32 $0xFFFFCE00  }
0xda: {  	_ =	sfence.sel $0x180000  }
0xdb: {  	[bflag:$0x0] =	sbarrier.arrive $0xFFFF  }
0xdc: {  	p0 =	sne.s32 s0, $0x0;
	_ =	strace $0x90000047  }
0xdd: {  	s0 =	sadd.s32 @!p0 $0x100000, s1;
	[bflag:$0x2] =	sbarrier.arrive $0xFFFF  }
0xde: {  	[sflag:s0] =	ssyncadd.tile.s32 @!p0 $0x1;
	_ =	shalt  }
.Lfunc_end2:
_tile_overlayer_lowered:
.L_overlay_start_2:
0xdf: {  	(tag) =	ssettag $0x2  }
0xe0: {  	s0 =	rddreg [dreg:$0x0];
	s2 =	stileid.u32  }
0xe1: {  	s1 =	rddreg [dreg:$0x1];
	p0 =	sne.s32 s2, $0x0  }
0xe2: {  	s3 =	rddreg [dreg:$0x2];
	[bflag:$0x3] =	sbarrier.arrive $0xFFFF;
	s2 =	simm.s32 @!p0 $0x1C09  }
0xe3: {  	[timem:s3], [sflag:s2] =	dma.local @!p0 [hbm:s0], s1  }
0xe4: {  	s0 =	simm.s32 @!p0 $0x9  }
0xe5: {  	_ =	swait.ge @!p0 [sflag:s0], s1  }
0xe6: {  	s1 =	ssub.s32 @!p0 $0x0, s1;
	[sflag:s0] =	ssyncset.done @!p0 $0x0  }
0xe7: {  	[sflag:s0] =	ssyncadd.s32 @!p0 s1  }
0xe8: {  	[bflag:$0x3] =	sbarrier.arrive $0xFFFF  }
0xe9: {  	_ =	shalt  }

// kernel: sparse-core-data-format-call.cloned.1.call-start
scs
called_computation_lowered:
.L_overlay_start_0:
0x0: {  	s2 =	sld [smem:$0x3FD9]  }
0x1: {  	s3 =	sld [smem:$0x3FFE];
	_ =	sdelay $0x1  }
0x2: {  	s1 =	srdreg.scid  }
0x3: {  	s0 =	sand.u32 $0x1, s1  }
0x4: {  	s18 =	sshll.u32 s0, $0xA;
	s2 =	sadd.s32 s3, s2  }
0x5: {  	s2 =	sadd.s32 s2, s18  }
0x6: {  	[smem:$0x3FC6] =	sst s2  }
0x7: {  	_ = 	snop  }
0x8: {  	s2 =	sld [smem:$0x3FD0];
	(tm) =	ssettm $0x1  }
0x9: {  	s19 =	sld [smem:$0x3FFB];
	_ =	sdelay $0x3  }
0xa: {  	_ =	strace s19  }
0xb: {  	s3 =	sld [smem:$0x3FFC];
	_ =	sdelay $0x3  }
0xc: {  	_ =	strace s3  }
0xd: {  	s3 =	sld [smem:$0x3FFD];
	_ =	sdelay $0x3  }
0xe: {  	_ =	strace s3  }
0xf: {  	_ =	strace $0x8FFFFFFF  }
0x10: {  	s20 =	sld [smem:$0x3FDB];
	_ =	sdelay $0x1  }
0x11: {  	s4 =	simm.s32 $_scs_section_size  }
0x12: {  	s5 =	simm.s32 $_size__tile_overlayer_lowered;
	s6 =	simm.s32 $_tile_overlayer_lowered  }
0x13: {  	s23 =	simm.s32 $0x1BFF;
	s22 =	sshll.u32 s6, $0x1;
	s3 =	sadd.s32 s4, s20  }
0x14: {  	s7 =	simm.s32 $0x0;
	s21 =	sshll.u32 s5, $0x1;
	s5 =	sadd.s32 s22, s3  }
0x15: {  	[timem:s7], [sflag:s23] =	dma.local [hbm:s5], s21  }
0x16: {  	_ =	swait.ge [sflag:s23], s21  }
0x17: {  	s4 =	ssub.s32 $0x0, s21;
	[sflag:s23] =	ssyncset.done $0x0  }
0x18: {  	[sflag:s23] =	ssyncadd.s32 s4;
	_ =	sdelay $0x1  }
0x19: {  	s24 =	simm.s32 $0x1B8B  }
0x1a: {  	_ =	swait.ge [sflag:s24], $0x1  }
0x1b: {  	[sflag:s24] =	ssyncset.done $0x0  }
0x1c: {  	s26 =	simm.s32 $0x1B8E;
	s25 =	sld [smem:$0x3FFE];
	[sflag:s24] =	ssyncadd.s32 $0xFFFFFFFF  }
0x1d: {  	s27 =	simm.s32 $execute0_lowered;
	[smem:$0x3FD2] =	sst s26  }
0x1e: {  	s5 =	sshll.u32 s27, $0x1;
	_ =	strace $0x80000049;
	[dreg:$0x1] =	wrdreg $0xFFFFFFFF  }
0x1f: {  	s28 =	simm.s32 $_size_execute0_lowered;
	s3 =	sadd.s32 s3, s5;
	[dreg:$0x0] =	wrdreg $0x0  }
0x20: {  	s5 =	sshll.u32 s28, $0x1;
	[dreg:$0x2] =	wrdreg s3  }
0x21: {  	[dreg:$0x3] =	wrdreg s5  }
0x22: {  	[dreg:$0x4] =	wrdreg $0xC0  }
0x23: {  	_ =	task [dreg:s7], $0x5FFFF  }
0x24: {  	[dreg:$0x1] =	wrdreg $0xFFFFFFFF  }
0x25: {  	[dreg:$0x0] =	wrdreg $0x60  }
0x26: {  	[dreg:$0x2] =	wrdreg s25  }
0x27: {  	[dreg:$0x3] =	wrdreg s2  }
0x28: {  	[dreg:$0x4] =	wrdreg $0x9  }
0x29: {  	_ =	task.clear_ibuf [dreg:s7], $0x5FFFF;
	_ =	strace $0x90000049  }
0x2a: {  	s29 =	simm.s32 $0x9;
	_ =	strace $0x8000004B  }
0x2b: {  	_ =	swait.ge [sflag:s29], $0x1  }
0x2c: {  	[sflag:s29] =	ssyncadd.s32 $0xFFFFFFFF  }
0x2d: {  	_ =	strace $0x9000004B  }
0x2e: {  	_ =	sfence  }
0x2f: {  	s30 =	sld [smem:$0x0];
	_ =	sdelay $0x2  }
0x30: {  	s31 =	sshll.u32 s1, $0xD;
	s1 =	sshrl.u32 s1, $0x2  }
0x31: {  	s3 =	sand.u32 $0x4000, s31;
	s1 =	sadd.s32 s1, s30  }
0x32: {  	s0 =	sor.u32 s3, s0;
	s1 =	sshll.u32 s1, $0x11  }
0x33: {  	s0 =	sor.u32 s1, s0  }
0x34: {  	s0 =	sadd.s32 $0x8F2B, s0  }
0x35: {  	[sflag:s0] =	ssyncadd.remote.s32 $0x1  }
0x36: {  	_ =	sfence.sel $0xFFFF  }
0x37: {  	[dreg:$0x0] =	wrdreg $0xFFFFFFFF;
	(pc) =	sbr.abs _section_cstart, $3  }
0x38: {  	[dreg:$0x1] =	wrdreg $0xFFFFFFFF  }
0x39: {  	_ =	task.clear_ibuf [dreg:s7], $0x2FFFF;
	_ =	strace $0x9FFFFFFF  }
0x3a: {  	(tm) =	ssettm $0x7FFFFFFF  }
0x3b: {  	_ =	shalt  }
tec
execute0_lowered:
.L_overlay_start_1:
0x0: {  	(tag) =	ssettag $0x1  }
0x1: {  	s0 =	srdreg.scid  }
0x2: {  	s1 =	sshll.u32 s0, $0x4  }
0x3: {  	s0 =	stileid.u32;
	s1 =	sand.u32 $0x10, s1  }
0x4: {  	s1 =	sor.u32 s0, s1  }
0x5: {  	s6 =	rddreg [dreg:$0x0];
	s4 =	simm.s32 $0x1;
	s2 =	sshll.u32 s1, $0x7  }
0x6: {  	s7 =	simm.s32 $0x2;
	s12 =	simm.s32 $0x0;
	s1 =	ssub.s32 $0x1000, s2  }
0x7: {  	s8 =	simm.s32 $0x8000;
	s13 =	simm.s32 $0x0;
	s3 =	sand.u32 $0xF80, s1  }
0x8: {  	s9 =	simm.s32 $0x0;
	s5 =	sshrl.u32 s1, $0xC;
	p0 =	sne.s32 s3, $0x0  }
.Ltmp0:
0x9: {  	s1 =	rddreg [dreg:$0x2];
	s4 =	simm.s32 @!p0 $0x0;
	(pc) =	sbr.rel .LBB1_1-.Ltmp0, $4  }
0xa: {  	s11 =	simm.s32 $0x0;
	s3 =	rddreg [dreg:$0x1];
	s5 =	sadd.s32 s4, s5  }
0xb: {  	_ =	strace $0x8000004A;
	s4 =	simm.s32 $0x1;
	s5 =	smul.u32 $0xC8, s5  }
0xc: {  	s6 =	sadd.s32 $0x800, s6;
	s10 =	smov.u32 s2;
	[sflag:s4] =	ssyncpa.u1 $0x0  }
0xd: {  	p0 =	por $0x0, $0x0;
	[sflag:s7] =	ssyncpa.u1 $0x0;
	s7 =	sor.u32 $0x1, s5  }
.LBB1_4:
0xe: {  	s16 =	sshll.u32 s13, $0x3;
	s17 =	sand.u32 $0x78, s13  }
0xf: {  	s30 =	sand.u32 $0x7E00, s13;
	s12 =	sshll.u32 s12, $0xF;
	s16 =	sand.u32 $0xC00, s16  }
0x10: {  	[tilespmem:s15+$0x810 ss:$0x81] =	vst.msk $0xffff, v2;
	s31 =	sand.u32 $0x7, s13;
	s16 =	sor.u32 s17, s16;
	s17 =	sadd.s32 s3, s30  }
0x11: {  	[tilespmem:s15+$0x1020 ss:$0x81] =	vst.msk $0xffff, v0;
	s13 =	sshll.u32 s31, $0x12;
	s12 =	sadd.s32 s12, s17;
	s16 =	sshrl.u32 s16, $0x3  }
0x12: {  	[tilespmem:s15+$0x0 ss:$0x81] =	vst.msk $0xffff, v1;
	s13 =	sor.u32 $0x400, s13;
	s12 =	sadd.s32 s16, s12  }
0x13: {  	[hbm4b:s12+s13] =	stream.strided.scatter [tilespmem:s14], [sflag:$0x2], $0x2000, s8, s13, $0x20;
	[tilespmem:$0x8080] =	vst v63  }
.LBB1_5:
0x14: {  	s14 =	sadd.s32 $0x1, s9  }
0x15: {  	s12 =	sadd.s32 $0x1000, s10;
	s16 =	smov.u32 s10;
	p2 =	sgt.s32 s14, $0xC7  }
0x16: {  	s16 =	smov.u32 @p2 s12  }
0x17: {  	s14 =	simm.s32 @p2 $0x0;
	p2 =	sgt.s32 s16, $0xFFF  }
0x18: {  	s16 =	smov.u32 @p2 s2;
	p2 =	sne.s32 s11, s7  }
.Ltmp1:
0x19: {  	p1 =	slt.u32 s11, $0x2;
	(pc) =	sbr.rel @!p2 .LBB1_6-.Ltmp1, $4  }
0x1a: {  	s15 =	simm.s32 @!p1 $0x2  }
0x1b: {  	s13 =	smov.u32 s10;
	p0 =	por !p0, !p0;
	_ =	swait.ge @!p1 [sflag:s15], $0x2000  }
0x1c: {  	s12 =	smov.u32 s9;
	[sflag:s15] =	ssyncset.done @!p1 $0x0;
	s9 =	smov.u32 s14  }
0x1d: {  	s11 =	sadd.s32 $0x1, s11;
	[sflag:s15] =	ssyncadd.s32 @!p1 $0xFFFFE000;
	s10 =	smov.u32 s16  }
.LBB1_1:
0x1e: {  	p1 =	sge.u32 s11, s5  }
0x1f: {  	s14 =	sand.u32 @!p1 $0x1FFFFFF, s9  }
0x20: {  	s15 =	smulhi.u32 @!p1 $0x147AE15, s14;
	_ =	sdelay $0x1  }
0x21: {  	s15 =	smul.u32 @!p1 $0xC8, s15  }
0x22: {  	s16 =	sxor.u32 @!p1 $0xFFFFFFFF, s11;
	s17 =	smul.u32 @!p1 $0xC80, s10  }
0x23: {  	s31 =	sadd.s32 $0xFFFFFFFF, s11;
	s16 =	sshll.u32 @!p1 s16, $0xD;
	s14 =	ssub.s32 @!p1 s14, s15  }
0x24: {  	s15 =	sand.u32 @!p1 $0x2000, s16;
	s16 =	sadd.s32 @!p1 s6, s17;
	s14 =	sshll.u32 @!p1 s14, $0x4  }
0x25: {  	s17 =	simm.s32 @!p1 $0x6400;
	s14 =	sadd.s32 @!p1 s14, s16;
	s16 =	simm.s32 @!p1 $0x40  }
0x26: {  	[tilespmem:s15], [sflag:$0x1] =	stream.strided.gather @!p1 [hbm4b:s14+s16], $0x2000, s17, s16, $0x38;
	[tilespmem:$0x8080] =	vst v63  }
0x27: {  	p1 =	sge.u32 s31, s5  }
.Ltmp2:
0x28: {  	_ = 	snop;
	(pc) =	sbr.rel @p1 .LBB1_5-.Ltmp2, $1  }
0x29: {  	_ =	sdelay $0x3  }
0x2a: {  	s14 =	simm.s32 $0x1  }
0x2b: {  	_ =	swait.ge [sflag:s4], $0x2000;
	s14 =	simm.s32 @!p0 $0x0  }
0x2c: {  	[sflag:s4] =	ssyncset.done $0x0;
	s15 =	sshll.u32 s14, $0xD  }
0x2d: {  	[sflag:s4] =	ssyncadd.s32 $0xFFFFE000;
	s18 =	sor.u32 $0x20, s15  }
0x2e: {  	s14 =	smul.u32 $0x8100, s14;
	v3 =	vld [tilespmem:s18+$0x10]  }
0x2f: {  	s30 =	sand.u32 $0x1, s11;
	v2 =	vld [tilespmem:s18+$0xFFFFFFF0]  }
0x30: {  	s15 =	smul.u32 $0x8100, s30;
	s14 =	sshrl.u32 s14, $0x2;
	v0 =	vld [tilespmem:s18+$0x0]  }
0x31: {  	v1 =	vld [tilespmem:s18+$0xFFFFFFE0];
	s16 =	sor.u32 $0x4000, s14  }
0x32: {  	s31 =	sshrl.u32 s15, $0x2;
	s15 =	sadd.s32 $0x0, s16  }
0x33: {  	s17 =	simm.s32 $0x4;
	s18 =	sadd.s32 $0x40, s18;
	s14 =	sor.u32 $0x4000, s31;
	[tilespmem:s15+$0x1830 ss:$0x81] =	vst.msk $0xffff, v3  }
.LBB1_3:
0x34: {  	v3 =	vld [tilespmem:s18+$0x10];
	p1 =	sne.s32 s17, $0x1FC;
	[tilespmem:s15+$0x810 ss:$0x81] =	vst.msk $0xffff, v2;
	s19 =	smov.u32 s17;
	s17 =	sadd.s32 $0x4, s17  }
.Ltmp3:
0x35: {  	v2 =	vld [tilespmem:s18+$0xFFFFFFF0];
	[tilespmem:s15+$0x1020 ss:$0x81] =	vst.msk $0xffff, v0;
	(pc) =	sbr.rel @p1 .LBB1_3-.Ltmp3, $4  }
0x36: {  	v0 =	vld [tilespmem:s18+$0x0];
	[tilespmem:s15+$0x0 ss:$0x81] =	vst.msk $0xffff, v1  }
0x37: {  	s15 =	sshra.s32 s19, $0x2;
	v1 =	vld [tilespmem:s18+$0xFFFFFFE0]  }
0x38: {  	s15 =	sadd.s32 s15, s16  }
0x39: {  	s18 =	sadd.s32 $0x40, s18;
	[tilespmem:s15+$0x1830 ss:$0x81] =	vst.msk $0xffff, v3  }
.Ltmp4:
0x3a: {  	_ = 	snop;
	(pc) =	sbr.rel .LBB1_4-.Ltmp4, $1  }
0x3b: {  	_ =	sdelay $0x3  }
.LBB1_6:
0x3c: {  	_ =	sfence.sel $0x180000  }
0x3d: {  	s2 =	simm.s32 $0x1;
	[bflag:$0x0] =	sbarrier.arrive $0xFFFF  }
0x3e: {  	s31 =	simm.s32 $0x2;
	[sflag:s2] =	ssyncpa.u1 $0x1  }
0x3f: {  	[sflag:s31] =	ssyncpa.u1 $0x1  }
0x40: {  	p0 =	sne.s32 s0, $0x0;
	_ =	strace $0x9000004A  }
0x41: {  	s0 =	sadd.s32 @!p0 $0x100000, s1;
	[bflag:$0x2] =	sbarrier.arrive $0xFFFF  }
0x42: {  	[sflag:s0] =	ssyncadd.tile.s32 @!p0 $0x1;
	_ =	shalt  }
.Lfunc_end1:
_tile_overlayer_lowered:
.L_overlay_start_2:
0x43: {  	(tag) =	ssettag $0x2  }
0x44: {  	s0 =	rddreg [dreg:$0x0];
	s2 =	stileid.u32  }
0x45: {  	s1 =	rddreg [dreg:$0x1];
	p0 =	sne.s32 s2, $0x0  }
0x46: {  	s3 =	rddreg [dreg:$0x2];
	[bflag:$0x3] =	sbarrier.arrive $0xFFFF;
	s2 =	simm.s32 @!p0 $0x1C01  }
0x47: {  	[timem:s3], [sflag:s2] =	dma.local @!p0 [hbm:s0], s1  }
0x48: {  	s0 =	simm.s32 @!p0 $0x1  }
0x49: {  	_ =	swait.ge @!p0 [sflag:s0], s1  }
0x4a: {  	s1 =	ssub.s32 @!p0 $0x0, s1;
	[sflag:s0] =	ssyncset.done @!p0 $0x0  }
0x4b: {  	[sflag:s0] =	ssyncadd.s32 @!p0 s1  }
0x4c: {  	[bflag:$0x3] =	sbarrier.arrive $0xFFFF  }
0x4d: {  	_ =	shalt  }

</sc_bundles>
